<compile_context>
chip_gen: v7x
topology: tpu7x:2x2x1
jax: 0.10.2.dev20260603
libtpu: 0.0.44.dev20260713+nightly
codegen_flags: <defaults>
</compile_context>

<pallas_src>
import functools

import jax
import jax.numpy as jnp
from jax import lax
from jax.experimental import pallas as pl
from jax.experimental.pallas import tpu as pltpu
from jax.experimental.pallas import tpu_sc as plsc

NC, NS, L = 2, 16, 16
NW = NC * NS


def _sc_mesh():
    return plsc.VectorSubcoreMesh(core_axis_name="c", subcore_axis_name="s")


def _zero_vmem(ref, rows, width):
    zero = jnp.zeros((L,), jnp.float32)

    def body(i, carry):
        for j in range(width // L):
            ref[i, pl.ds(j * L, L)] = zero
        return carry

    lax.fori_loop(0, rows, body, 0)


CB = 128
NCH_SPLIT = (54, 104)


@functools.partial(jax.jit, static_argnames=("n", "nch0", "nch1"))
def _sc_spmm(g, src0, dst0, a0, src1, dst1, a1, *, n, nch0, nch1):
    dw = g.shape[1]
    npad = ((n + NS * 128 - 1) // (NS * 128)) * (NS * 128)
    rpt = npad // NS
    wb = 128
    nwb = rpt // wb
    nchm = max(nch0, nch1)
    assert nch0 % 2 == 0 and nch1 % 2 == 0

    @functools.partial(
        pl.kernel,
        out_type=jax.ShapeDtypeStruct((NC, npad, dw), jnp.float32),
        mesh=_sc_mesh(),
        compiler_params=pltpu.CompilerParams(needs_layout_passes=False),
        scratch_types=[
            pltpu.VMEM((nchm, CB), jnp.int32),
            pltpu.VMEM((CB,), jnp.int32),
            pltpu.VMEM((CB,), jnp.int32),
            pltpu.VMEM((CB,), jnp.float32),
            pltpu.VMEM((CB,), jnp.float32),
            pltpu.VMEM((CB, dw), jnp.float32),
            pltpu.VMEM((CB, dw), jnp.float32),
            pltpu.VMEM_SHARED((npad, dw), jnp.float32),
            pltpu.SemaphoreType.DMA,
            pltpu.SemaphoreType.DMA,
            pltpu.SemaphoreType.DMA,
            pltpu.SemaphoreType.DMA,
        ],
    )
    def spmm_kernel(g_hbm, src0_hbm, dst0_hbm, a0_hbm,
                    src1_hbm, dst1_hbm, a1_hbm, out_hbm,
                    src_v, dst_b0, dst_b1, a_b0, a_b1, rows0, rows1,
                    acc, semg0, semg1, semi0, semi1):
        c = lax.axis_index("c")
        s = lax.axis_index("s")
        row0 = s * rpt

        _zero_vmem(rows0, wb, dw)
        for i in range(nwb):
            pltpu.sync_copy(rows0, acc.at[pl.ds(row0 + i * wb, wb)])
        plsc.subcore_barrier()

        def scale(rows_v, a_b):
            def edge(i, carry):
                ab = plsc.load_gather(a_b, [jnp.zeros((L,), jnp.int32) + i])
                for j in range(dw // L):
                    rows_v[i, pl.ds(j * L, L)] = (
                        rows_v[i, pl.ds(j * L, L)] * ab)
                return carry

            lax.fori_loop(0, CB, edge, 0)

        def run(src_hbm, dst_hbm, a_hbm, nch):
            pltpu.sync_copy(src_hbm.at[s], src_v.at[pl.ds(0, nch)])

            def prefetch(k, dst_b, a_b, rows_v, semg, semi):
                pltpu.async_copy(dst_hbm.at[s, k], dst_b, semi)
                pltpu.async_copy(a_hbm.at[s, k], a_b, semi)
                pltpu.async_copy(g_hbm.at[src_v.at[k]], rows_v, semg)

            def wait(k, dst_b, a_b, rows_v, semg, semi):
                pltpu.make_async_copy(dst_hbm.at[s, k], dst_b, semi).wait()
                pltpu.make_async_copy(a_hbm.at[s, k], a_b, semi).wait()
                pltpu.make_async_copy(
                    g_hbm.at[src_v.at[k]], rows_v, semg).wait()

            prefetch(0, dst_b0, a_b0, rows0, semg0, semi0)
            prefetch(1, dst_b1, a_b1, rows1, semg1, semi1)

            def pipe(j, carry):
                k0 = 2 * j
                wait(k0, dst_b0, a_b0, rows0, semg0, semi0)
                scale(rows0, a_b0)
                pltpu.sync_copy(rows0, acc.at[dst_b0], add=True)
                prefetch(jnp.minimum(k0 + 2, nch - 2),
                         dst_b0, a_b0, rows0, semg0, semi0)
                k1 = k0 + 1
                wait(k1, dst_b1, a_b1, rows1, semg1, semi1)
                scale(rows1, a_b1)
                pltpu.sync_copy(rows1, acc.at[dst_b1], add=True)
                prefetch(jnp.minimum(k1 + 2, nch - 1),
                         dst_b1, a_b1, rows1, semg1, semi1)
                return carry

            lax.fori_loop(0, nch // 2, pipe, 0)
            wait(nch - 2, dst_b0, a_b0, rows0, semg0, semi0)
            wait(nch - 1, dst_b1, a_b1, rows1, semg1, semi1)

        @pl.when(c == 0)
        def _():
            run(src0_hbm, dst0_hbm, a0_hbm, nch0)

        @pl.when(c == 1)
        def _():
            run(src1_hbm, dst1_hbm, a1_hbm, nch1)

        plsc.subcore_barrier()

        for i in range(nwb):
            r = row0 + i * wb
            pltpu.sync_copy(acc.at[pl.ds(r, wb)], rows0)
            pltpu.sync_copy(rows0, out_hbm.at[c, pl.ds(r, wb)])

    return spmm_kernel(g, src0, dst0, a0, src1, dst1, a1)


@functools.partial(jax.jit, static_argnames=("n", "nch"))
def _sc_degrees(src3, dst3, *, n, nch):
    dw = 128
    npad = ((n + NS * 128 - 1) // (NS * 128)) * (NS * 128)
    rpt = npad // NS
    wb = 128
    nwb = rpt // wb

    @functools.partial(
        pl.kernel,
        out_type=(
            jax.ShapeDtypeStruct((NC, npad, dw), jnp.float32),
            jax.ShapeDtypeStruct((NC, npad, dw), jnp.float32),
        ),
        mesh=_sc_mesh(),
        compiler_params=pltpu.CompilerParams(needs_layout_passes=False),
        scratch_types=[
            pltpu.VMEM((CB,), jnp.int32),
            pltpu.VMEM((CB,), jnp.int32),
            pltpu.VMEM((CB, dw), jnp.float32),
            pltpu.VMEM((wb, dw), jnp.float32),
            pltpu.VMEM_SHARED((npad, dw), jnp.float32),
            pltpu.SemaphoreType.DMA,
            pltpu.SemaphoreType.DMA,
        ],
    )
    def deg_kernel(src_hbm, dst_hbm, outd_hbm, outi_hbm,
                   idx_b0, idx_b1, ones_v, wb_v, acc, sem0, sem1):
        c = lax.axis_index("c")
        s = lax.axis_index("s")
        wid = c * NS + s
        row0 = s * rpt

        one = jnp.ones((L,), jnp.float32)

        def fill(i, carry):
            for j in range(dw // L):
                ones_v[i, pl.ds(j * L, L)] = one
            return carry

        lax.fori_loop(0, CB, fill, 0)

        def one_direction(idx_hbm, out_hbm):
            _zero_vmem(wb_v, wb, dw)
            for i in range(nwb):
                pltpu.sync_copy(wb_v, acc.at[pl.ds(row0 + i * wb, wb)])
            plsc.subcore_barrier()

            pltpu.async_copy(idx_hbm.at[wid, 0], idx_b0, sem0)
            pltpu.async_copy(idx_hbm.at[wid, 1], idx_b1, sem1)

            def pipe(j, carry):
                k0 = 2 * j
                pltpu.make_async_copy(
                    idx_hbm.at[wid, k0], idx_b0, sem0).wait()
                pltpu.sync_copy(ones_v, acc.at[idx_b0], add=True)
                pltpu.async_copy(
                    idx_hbm.at[wid, jnp.minimum(k0 + 2, nch - 2)],
                    idx_b0, sem0)
                k1 = k0 + 1
                pltpu.make_async_copy(
                    idx_hbm.at[wid, k1], idx_b1, sem1).wait()
                pltpu.sync_copy(ones_v, acc.at[idx_b1], add=True)
                pltpu.async_copy(
                    idx_hbm.at[wid, jnp.minimum(k1 + 2, nch - 1)],
                    idx_b1, sem1)
                return carry

            lax.fori_loop(0, nch // 2, pipe, 0)
            pltpu.make_async_copy(idx_hbm.at[wid, nch - 2], idx_b0, sem0).wait()
            pltpu.make_async_copy(idx_hbm.at[wid, nch - 1], idx_b1, sem1).wait()
            plsc.subcore_barrier()

            for i in range(nwb):
                r = row0 + i * wb
                pltpu.sync_copy(acc.at[pl.ds(r, wb)], wb_v)
                pltpu.sync_copy(wb_v, out_hbm.at[c, pl.ds(r, wb)])
            plsc.subcore_barrier()

        one_direction(src_hbm, outd_hbm)
        one_direction(dst_hbm, outi_hbm)

    return deg_kernel(src3, dst3)


def _chunk_edges(v, nch, pad_val=0):
    pad = NW * nch * CB - v.shape[0]
    return jnp.concatenate(
        [v, jnp.full((pad,), pad_val, v.dtype)]).reshape(NW, nch, CB)


def _split_edges(v, nch0, nch1, pad_val=0):
    n0 = NS * nch0 * CB
    part0 = v[:n0].reshape(NS, nch0, CB)
    rest = v[n0:]
    pad = NS * nch1 * CB - rest.shape[0]
    part1 = jnp.concatenate(
        [rest, jnp.full((pad,), pad_val, v.dtype)]).reshape(NS, nch1, CB)
    return part0, part1


def _tc_prep(degoP, degiP, x, eps, a_mu, a_log_sigma):
    n, d = x.shape

    def body(dego_ref, degi_ref, x_ref, eps_ref, amu_ref, als_ref,
             invo_ref, invi_ref, g0_ref, a_ref):
        dego = dego_ref[0, :n, 0:1] + dego_ref[1, :n, 0:1]
        degi = degi_ref[0, :n, 0:1] + degi_ref[1, :n, 0:1]
        invo = lax.rsqrt(jnp.where(dego > 0.0, dego, 1.0))
        invi = lax.rsqrt(jnp.where(degi > 0.0, degi, 1.0))
        invo_ref[...] = invo
        invi_ref[...] = invi
        g0_ref[...] = x_ref[...] * invo
        sigma = jnp.exp(als_ref[0, 0])
        a_ref[...] = amu_ref[0, 0] + sigma * eps_ref[...]

    return pl.pallas_call(
        body,
        out_shape=(
            jax.ShapeDtypeStruct((n, 1), jnp.float32),
            jax.ShapeDtypeStruct((n, 1), jnp.float32),
            jax.ShapeDtypeStruct((n, d), jnp.float32),
            jax.ShapeDtypeStruct(eps.shape, jnp.float32),
        ),
    )(degoP, degiP, x, eps, a_mu.reshape(1, 1), a_log_sigma.reshape(1, 1))


def _tc_layer(aggP, invi, invo, W, b, gamma, beta, W2=None):
    n = invi.shape[0]
    hdim = W.shape[1]
    odim = hdim if W2 is None else W2.shape[1]

    def body(*refs):
        if W2 is None:
            aggp_ref, invi_ref, invo_ref, w_ref, b_ref, g_ref, be_ref, o_ref = refs
        else:
            (aggp_ref, invi_ref, invo_ref, w_ref, b_ref, g_ref, be_ref,
             w2_ref, o_ref) = refs
        agg = (aggp_ref[0, :n] + aggp_ref[1, :n]) * invi_ref[...]
        tmat = jnp.dot(agg, w_ref[...], preferred_element_type=jnp.float32)
        tmat = tmat + b_ref[...]
        tmat = jnp.maximum(tmat, 0.0)
        mu = jnp.mean(tmat, axis=0, keepdims=True)
        var = jnp.mean((tmat - mu) * (tmat - mu), axis=0, keepdims=True)
        h = (tmat - mu) * lax.rsqrt(var + 1e-5) * g_ref[...] + be_ref[...]
        h = h * invo_ref[...]
        if W2 is None:
            o_ref[...] = h
        else:
            o_ref[...] = jnp.dot(h, w2_ref[...],
                                 preferred_element_type=jnp.float32)

    args = [aggP, invi, invo, W, b.reshape(1, hdim), gamma.reshape(1, hdim),
            beta.reshape(1, hdim)]
    if W2 is not None:
        args.append(W2)
    return pl.pallas_call(
        body,
        out_shape=jax.ShapeDtypeStruct((n, odim), jnp.float32),
    )(*args)


def _tc_final(aggP, invi, b2):
    n = invi.shape[0]
    cdim = b2.shape[0]

    def body(aggp_ref, invi_ref, b_ref, o_ref):
        z = ((aggp_ref[0, :n, :cdim] + aggp_ref[1, :n, :cdim])
             * invi_ref[...] + b_ref[...])
        m = jnp.max(z, axis=1, keepdims=True)
        ez = jnp.exp(z - m)
        o_ref[...] = ez / jnp.sum(ez, axis=1, keepdims=True)

    return pl.pallas_call(
        body,
        out_shape=jax.ShapeDtypeStruct((n, cdim), jnp.float32),
    )(aggP, invi, b2.reshape(1, cdim))


def kernel(x, edge_index, W0, b0, W1, b1, W2, b2,
           gamma0, beta0, gamma1, beta1, a_mu, a_log_sigma):
    n, d = x.shape
    e = edge_index.shape[1]
    src = edge_index[0].astype(jnp.int32)
    dst = edge_index[1].astype(jnp.int32)

    eps = jnp.stack([
        jax.random.normal(jax.random.key(101), (e,), dtype=jnp.float32),
        jax.random.normal(jax.random.key(102), (e,), dtype=jnp.float32),
        jax.random.normal(jax.random.key(103), (e,), dtype=jnp.float32),
    ])

    nch = -(-e // (NW * CB * 2)) * 2
    nch0, nch1 = NCH_SPLIT
    src_s = _split_edges(src, nch0, nch1)
    dst_s = _split_edges(dst, nch0, nch1, pad_val=n)
    src3c = _chunk_edges(src, nch, pad_val=n)
    dst3 = _chunk_edges(dst, nch, pad_val=n)
    degoP, degiP = _sc_degrees(src3c, dst3, n=n, nch=nch)
    invo, invi, g0, a_all = _tc_prep(degoP, degiP, x, eps, a_mu, a_log_sigma)
    a0_s = _split_edges(a_all[0], nch0, nch1)
    a1_s = _split_edges(a_all[1], nch0, nch1)
    a2_s = _split_edges(a_all[2], nch0, nch1)

    def spmm(gv, a_s):
        return _sc_spmm(gv, src_s[0], dst_s[0], a_s[0],
                        src_s[1], dst_s[1], a_s[1], n=n, nch0=nch0, nch1=nch1)

    aggP0 = spmm(g0, a0_s)
    g1 = _tc_layer(aggP0, invi, invo, W0, b0, gamma0, beta0)
    aggP1 = spmm(g1, a1_s)
    w2p = jnp.concatenate([W2, jnp.zeros_like(W2)], axis=1)
    p2 = _tc_layer(aggP1, invi, invo, W1, b1, gamma1, beta1, W2=w2p)
    aggP2 = spmm(p2, a2_s)
    return _tc_final(aggP2, invi, b2)

# --- scband reference (transcript-rebuilt; emitter-appended) ---
"""Pipeline reference for scband-stag-vi-65000035058536 (READ-ONLY COPY).

The authoritative reference and input builder live on the scoring server;
editing this copy changes nothing except your own understanding.
"""

import jax, jax.numpy as jnp
import numpy as np

N, E, D, H, C = 10000, 320000, 128, 128, 64


def setup_inputs(seed: int = 0) -> dict:
    key = jax.random.key(seed)
    ks = jax.random.split(key, 8)
    x = jax.random.normal(ks[0], (N, D), dtype=jnp.float32)
    edge_index = jax.random.randint(ks[1], (2, E), 0, N)
    W0 = jax.random.normal(ks[2], (D, H), dtype=jnp.float32) / np.sqrt(D)
    b0 = jnp.zeros((H,), dtype=jnp.float32)
    W1 = jax.random.normal(ks[3], (H, H), dtype=jnp.float32) / np.sqrt(H)
    b1 = jnp.zeros((H,), dtype=jnp.float32)
    W2 = jax.random.normal(ks[4], (H, C), dtype=jnp.float32) / np.sqrt(H)
    b2 = jnp.zeros((C,), dtype=jnp.float32)
    gamma0 = jnp.ones((H,), dtype=jnp.float32)
    beta0 = jnp.zeros((H,), dtype=jnp.float32)
    gamma1 = jnp.ones((H,), dtype=jnp.float32)
    beta1 = jnp.zeros((H,), dtype=jnp.float32)
    a_mu = jnp.asarray(1.0, dtype=jnp.float32)
    a_log_sigma = jnp.asarray(1.0, dtype=jnp.float32)
    return {"x": x, "edge_index": edge_index, "W0": W0, "b0": b0, "W1": W1, "b1": b1,
            "W2": W2, "b2": b2, "gamma0": gamma0, "beta0": beta0, "gamma1": gamma1,
            "beta1": beta1, "a_mu": a_mu, "a_log_sigma": a_log_sigma}


def _batchnorm(h, gamma, beta):
    mu = h.mean(axis=0)
    var = h.var(axis=0)
    return (h - mu) / jnp.sqrt(var + 1e-5) * gamma + beta


def _gcn(h, src, dst, a, W, b, inv_sqrt_out, inv_sqrt_in):
    # GraphConv (norm='both') with stochastic per-edge weight a:
    # h_dst = D_in^{-1/2} * sum_e a_e * D_out^{-1/2}[src] * h[src]  then linear
    msg = h[src] * inv_sqrt_out[src][:, None] * a
    agg = jax.ops.segment_sum(msg, dst, num_segments=N)
    agg = agg * inv_sqrt_in[:, None]
    return agg @ W + b


def reference(x, edge_index, W0, b0, W1, b1, W2, b2, gamma0, beta0, gamma1, beta1, a_mu, a_log_sigma):
    src = edge_index[0]
    dst = edge_index[1]
    ones = jnp.ones((E,), dtype=jnp.float32)
    out_deg = jax.ops.segment_sum(ones, src, num_segments=N)
    in_deg = jax.ops.segment_sum(ones, dst, num_segments=N)
    inv_sqrt_out = jnp.where(out_deg > 0, out_deg, 1.0) ** -0.5
    inv_sqrt_in = jnp.where(in_deg > 0, in_deg, 1.0) ** -0.5
    sigma = jnp.exp(a_log_sigma)
    # reparameterized samples of per-edge, per-layer weights a ~ q(a) = N(a_mu, sigma)
    eps0 = jax.random.normal(jax.random.key(101), (E, 1), dtype=jnp.float32)
    eps1 = jax.random.normal(jax.random.key(102), (E, 1), dtype=jnp.float32)
    eps2 = jax.random.normal(jax.random.key(103), (E, 1), dtype=jnp.float32)
    a0 = a_mu + sigma * eps0
    a1 = a_mu + sigma * eps1
    a2 = a_mu + sigma * eps2
    # layer 0: GraphConv(in->hidden, activation=relu) then BatchNorm
    h = _gcn(x, src, dst, a0, W0, b0, inv_sqrt_out, inv_sqrt_in)
    h = jax.nn.relu(h)
    h = _batchnorm(h, gamma0, beta0)
    # layer 1: GraphConv(hidden->hidden, activation=relu) then BatchNorm
    h = _gcn(h, src, dst, a1, W1, b1, inv_sqrt_out, inv_sqrt_in)
    h = jax.nn.relu(h)
    h = _batchnorm(h, gamma1, beta1)
    # layer 2 (final): GraphConv(hidden->out, no activation)
    h = _gcn(h, src, dst, a2, W2, b2, inv_sqrt_out, inv_sqrt_in)
    # n_samples=1: mean over one softmax sample
    out = jax.nn.softmax(h, axis=-1)
    return out

if __name__ == "__main__":
    import jax
    _d = setup_inputs()
    print(jax.jit(kernel)(*tuple(_d.values())))

</pallas_src>

<mosaic_0001>
#map = affine_map<(d0, d1) -> (0, 0, 0)>
module attributes {stable_mosaic.version = 14 : i64} {
  func.func @deg_kernel(%arg0: i32, %arg1: i32, %arg2: memref<32x80x128xi32, #tpu.memory_space<hbm>>, %arg3: memref<32x80x128xi32, #tpu.memory_space<hbm>>, %arg4: memref<2x10240x128xf32, #tpu.memory_space<hbm>>, %arg5: memref<2x10240x128xf32, #tpu.memory_space<hbm>>, %arg6: memref<128xi32, #tpu.memory_space<vmem>>, %arg7: memref<128xi32, #tpu.memory_space<vmem>>, %arg8: memref<128x128xf32, #tpu.memory_space<vmem>>, %arg9: memref<128x128xf32, #tpu.memory_space<vmem>>, %arg10: memref<10240x128xf32, #tpu.memory_space<vmem_shared>>, %arg11: memref<!tpu.dma_semaphore, #tpu.memory_space<semaphore_mem>>, %arg12: memref<!tpu.dma_semaphore, #tpu.memory_space<semaphore_mem>>) attributes {dimension_semantics = [#tpu.dimension_semantics<core_parallel>, #tpu.dimension_semantics<subcore_parallel>], iteration_bounds = array<i64: 2, 16>, scalar_prefetch = 0 : i64, scratch_operands = 7 : i64, tpu.core_type = #tpu.core_type<sc_vector_subcore>, window_params = [{transform_indices = #map}, {transform_indices = #map}, {transform_indices = #map}, {transform_indices = #map}]} {
    %mul3A = arith.constant 16 : i32
    %mul3A_0 = arith.muli %arg0, %mul3A : i32
    %add3A = arith.addi %mul3A_0, %arg1 : i32
    %mul3A_1 = arith.constant 640 : i32
    %mul3A_2 = arith.muli %arg1, %mul3A_1 : i32
    %broadcast_in_dim3A = arith.constant 1.000000e+00 : f32
    %broadcast_in_dim3A_3 = vector.broadcast %broadcast_in_dim3A : f32 to vector<16xf32>
    %scan3A = arith.constant 0 : i32
    %scan3A_4 = arith.constant 0 : i32
    %scan3A_5 = arith.constant 128 : i32
    %scan3A_6 = arith.addi %scan3A_4, %scan3A_5 : i32
    %scan3A_7 = arith.constant 1 : i32
    scf.for %scan3A_136 = %scan3A_4 to %scan3A_6 step %scan3A_7  : i32 {
      %swap3A = arith.index_cast %scan3A_136 : i32 to index
      %swap3A_137 = arith.constant 0 : index
      %swap3A_138 = tpu.vector_load %arg8[%swap3A, %swap3A_137] {strides = array<i32>} : memref<128x128xf32, #tpu.memory_space<vmem>>, vector<16xf32>,
      tpu.vector_store %arg8[%swap3A, %swap3A_137], %broadcast_in_dim3A_3 {strides = array<i32>} : memref<128x128xf32, #tpu.memory_space<vmem>>, vector<16xf32>,
      %swap3A_139 = arith.index_cast %scan3A_136 : i32 to index
      %swap3A_140 = arith.constant 16 : index
      %swap3A_141 = tpu.vector_load %arg8[%swap3A_139, %swap3A_140] {strides = array<i32>} : memref<128x128xf32, #tpu.memory_space<vmem>>, vector<16xf32>,
      tpu.vector_store %arg8[%swap3A_139, %swap3A_140], %broadcast_in_dim3A_3 {strides = array<i32>} : memref<128x128xf32, #tpu.memory_space<vmem>>, vector<16xf32>,
      %swap3A_142 = arith.index_cast %scan3A_136 : i32 to index
      %swap3A_143 = arith.constant 32 : index
      %swap3A_144 = tpu.vector_load %arg8[%swap3A_142, %swap3A_143] {strides = array<i32>} : memref<128x128xf32, #tpu.memory_space<vmem>>, vector<16xf32>,
      tpu.vector_store %arg8[%swap3A_142, %swap3A_143], %broadcast_in_dim3A_3 {strides = array<i32>} : memref<128x128xf32, #tpu.memory_space<vmem>>, vector<16xf32>,
      %swap3A_145 = arith.index_cast %scan3A_136 : i32 to index
      %swap3A_146 = arith.constant 48 : index
      %swap3A_147 = tpu.vector_load %arg8[%swap3A_145, %swap3A_146] {strides = array<i32>} : memref<128x128xf32, #tpu.memory_space<vmem>>, vector<16xf32>,
      tpu.vector_store %arg8[%swap3A_145, %swap3A_146], %broadcast_in_dim3A_3 {strides = array<i32>} : memref<128x128xf32, #tpu.memory_space<vmem>>, vector<16xf32>,
      %swap3A_148 = arith.index_cast %scan3A_136 : i32 to index
      %swap3A_149 = arith.constant 64 : index
      %swap3A_150 = tpu.vector_load %arg8[%swap3A_148, %swap3A_149] {strides = array<i32>} : memref<128x128xf32, #tpu.memory_space<vmem>>, vector<16xf32>,
      tpu.vector_store %arg8[%swap3A_148, %swap3A_149], %broadcast_in_dim3A_3 {strides = array<i32>} : memref<128x128xf32, #tpu.memory_space<vmem>>, vector<16xf32>,
      %swap3A_151 = arith.index_cast %scan3A_136 : i32 to index
      %swap3A_152 = arith.constant 80 : index
      %swap3A_153 = tpu.vector_load %arg8[%swap3A_151, %swap3A_152] {strides = array<i32>} : memref<128x128xf32, #tpu.memory_space<vmem>>, vector<16xf32>,
      tpu.vector_store %arg8[%swap3A_151, %swap3A_152], %broadcast_in_dim3A_3 {strides = array<i32>} : memref<128x128xf32, #tpu.memory_space<vmem>>, vector<16xf32>,
      %swap3A_154 = arith.index_cast %scan3A_136 : i32 to index
      %swap3A_155 = arith.constant 96 : index
      %swap3A_156 = tpu.vector_load %arg8[%swap3A_154, %swap3A_155] {strides = array<i32>} : memref<128x128xf32, #tpu.memory_space<vmem>>, vector<16xf32>,
      tpu.vector_store %arg8[%swap3A_154, %swap3A_155], %broadcast_in_dim3A_3 {strides = array<i32>} : memref<128x128xf32, #tpu.memory_space<vmem>>, vector<16xf32>,
      %swap3A_157 = arith.index_cast %scan3A_136 : i32 to index
      %swap3A_158 = arith.constant 112 : index
      %swap3A_159 = tpu.vector_load %arg8[%swap3A_157, %swap3A_158] {strides = array<i32>} : memref<128x128xf32, #tpu.memory_space<vmem>>, vector<16xf32>,
      tpu.vector_store %arg8[%swap3A_157, %swap3A_158], %broadcast_in_dim3A_3 {strides = array<i32>} : memref<128x128xf32, #tpu.memory_space<vmem>>, vector<16xf32>,
    }
    %scan3A_8 = arith.constant 128 : i32
    %broadcast_in_dim3A_9 = arith.constant 0.000000e+00 : f32
    %broadcast_in_dim3A_10 = vector.broadcast %broadcast_in_dim3A_9 : f32 to vector<16xf32>
    %scan3A_11 = arith.constant 0 : i32
    %scan3A_12 = arith.constant 0 : i32
    %scan3A_13 = arith.constant 128 : i32
    %scan3A_14 = arith.addi %scan3A_12, %scan3A_13 : i32
    %scan3A_15 = arith.constant 1 : i32
    scf.for %scan3A_136 = %scan3A_12 to %scan3A_14 step %scan3A_15  : i32 {
      %swap3A = arith.index_cast %scan3A_136 : i32 to index
      %swap3A_137 = arith.constant 0 : index
      %swap3A_138 = tpu.vector_load %arg9[%swap3A, %swap3A_137] {strides = array<i32>} : memref<128x128xf32, #tpu.memory_space<vmem>>, vector<16xf32>,
      tpu.vector_store %arg9[%swap3A, %swap3A_137], %broadcast_in_dim3A_10 {strides = array<i32>} : memref<128x128xf32, #tpu.memory_space<vmem>>, vector<16xf32>,
      %swap3A_139 = arith.index_cast %scan3A_136 : i32 to index
      %swap3A_140 = arith.constant 16 : index
      %swap3A_141 = tpu.vector_load %arg9[%swap3A_139, %swap3A_140] {strides = array<i32>} : memref<128x128xf32, #tpu.memory_space<vmem>>, vector<16xf32>,
      tpu.vector_store %arg9[%swap3A_139, %swap3A_140], %broadcast_in_dim3A_10 {strides = array<i32>} : memref<128x128xf32, #tpu.memory_space<vmem>>, vector<16xf32>,
      %swap3A_142 = arith.index_cast %scan3A_136 : i32 to index
      %swap3A_143 = arith.constant 32 : index
      %swap3A_144 = tpu.vector_load %arg9[%swap3A_142, %swap3A_143] {strides = array<i32>} : memref<128x128xf32, #tpu.memory_space<vmem>>, vector<16xf32>,
      tpu.vector_store %arg9[%swap3A_142, %swap3A_143], %broadcast_in_dim3A_10 {strides = array<i32>} : memref<128x128xf32, #tpu.memory_space<vmem>>, vector<16xf32>,
      %swap3A_145 = arith.index_cast %scan3A_136 : i32 to index
      %swap3A_146 = arith.constant 48 : index
      %swap3A_147 = tpu.vector_load %arg9[%swap3A_145, %swap3A_146] {strides = array<i32>} : memref<128x128xf32, #tpu.memory_space<vmem>>, vector<16xf32>,
      tpu.vector_store %arg9[%swap3A_145, %swap3A_146], %broadcast_in_dim3A_10 {strides = array<i32>} : memref<128x128xf32, #tpu.memory_space<vmem>>, vector<16xf32>,
      %swap3A_148 = arith.index_cast %scan3A_136 : i32 to index
      %swap3A_149 = arith.constant 64 : index
      %swap3A_150 = tpu.vector_load %arg9[%swap3A_148, %swap3A_149] {strides = array<i32>} : memref<128x128xf32, #tpu.memory_space<vmem>>, vector<16xf32>,
      tpu.vector_store %arg9[%swap3A_148, %swap3A_149], %broadcast_in_dim3A_10 {strides = array<i32>} : memref<128x128xf32, #tpu.memory_space<vmem>>, vector<16xf32>,
      %swap3A_151 = arith.index_cast %scan3A_136 : i32 to index
      %swap3A_152 = arith.constant 80 : index
      %swap3A_153 = tpu.vector_load %arg9[%swap3A_151, %swap3A_152] {strides = array<i32>} : memref<128x128xf32, #tpu.memory_space<vmem>>, vector<16xf32>,
      tpu.vector_store %arg9[%swap3A_151, %swap3A_152], %broadcast_in_dim3A_10 {strides = array<i32>} : memref<128x128xf32, #tpu.memory_space<vmem>>, vector<16xf32>,
      %swap3A_154 = arith.index_cast %scan3A_136 : i32 to index
      %swap3A_155 = arith.constant 96 : index
      %swap3A_156 = tpu.vector_load %arg9[%swap3A_154, %swap3A_155] {strides = array<i32>} : memref<128x128xf32, #tpu.memory_space<vmem>>, vector<16xf32>,
      tpu.vector_store %arg9[%swap3A_154, %swap3A_155], %broadcast_in_dim3A_10 {strides = array<i32>} : memref<128x128xf32, #tpu.memory_space<vmem>>, vector<16xf32>,
      %swap3A_157 = arith.index_cast %scan3A_136 : i32 to index
      %swap3A_158 = arith.constant 112 : index
      %swap3A_159 = tpu.vector_load %arg9[%swap3A_157, %swap3A_158] {strides = array<i32>} : memref<128x128xf32, #tpu.memory_space<vmem>>, vector<16xf32>,
      tpu.vector_store %arg9[%swap3A_157, %swap3A_158], %broadcast_in_dim3A_10 {strides = array<i32>} : memref<128x128xf32, #tpu.memory_space<vmem>>, vector<16xf32>,
    }
    %scan3A_16 = arith.constant 128 : i32
    %add3A_17 = arith.constant 0 : i32
    %add3A_18 = arith.addi %mul3A_2, %add3A_17 : i32
    "tpu.region"() ({
      %run_scoped3A = tpu.sem_alloc : memref<!tpu.dma_semaphore, #tpu.memory_space<semaphore_mem>>
      %dma_start3A_136 = arith.constant 0 : i32
      %dma_start3A_137 = tpu.memref_slice %arg10[%add3A_18, %dma_start3A_136] : memref<10240x128xf32, #tpu.memory_space<vmem_shared>> -> memref<128x128xf32, #tpu.memory_space<vmem_shared>>
      %dma_start3A_138 = arith.constant 0 : i32
      %dma_start3A_139 = tpu.memref_slice %arg10[%add3A_18, %dma_start3A_138] : memref<10240x128xf32, #tpu.memory_space<vmem_shared>> -> memref<128x128xf32, #tpu.memory_space<vmem_shared>>
      tpu.enqueue_dma source(%arg9 : memref<128x128xf32, #tpu.memory_space<vmem>>) target(%dma_start3A_139 : memref<128x128xf32, #tpu.memory_space<vmem_shared>>) target_semaphore(%run_scoped3A : memref<!tpu.dma_semaphore, #tpu.memory_space<semaphore_mem>>)
      %dma_wait3A_140 = arith.constant 0 : i32
      %dma_wait3A_141 = tpu.memref_slice %arg10[%add3A_18, %dma_wait3A_140] : memref<10240x128xf32, #tpu.memory_space<vmem_shared>> -> memref<128x128xf32, #tpu.memory_space<vmem_shared>>
      %dma_wait3A_142 = arith.constant 0 : i32
      %dma_wait3A_143 = tpu.memref_slice %arg10[%add3A_18, %dma_wait3A_142] : memref<10240x128xf32, #tpu.memory_space<vmem_shared>> -> memref<128x128xf32, #tpu.memory_space<vmem_shared>>
      tpu.wait_dma2 semaphore(%run_scoped3A : memref<!tpu.dma_semaphore, #tpu.memory_space<semaphore_mem>>) src(%arg9 : memref<128x128xf32, #tpu.memory_space<vmem>>) dst(%dma_wait3A_143 : memref<128x128xf32, #tpu.memory_space<vmem_shared>>)
      tpu.yield
    }) : () -> ()
    %add3A_19 = arith.constant 128 : i32
    %add3A_20 = arith.addi %mul3A_2, %add3A_19 : i32
    "tpu.region"() ({
      %run_scoped3A = tpu.sem_alloc : memref<!tpu.dma_semaphore, #tpu.memory_space<semaphore_mem>>
      %dma_start3A_136 = arith.constant 0 : i32
      %dma_start3A_137 = tpu.memref_slice %arg10[%add3A_20, %dma_start3A_136] : memref<10240x128xf32, #tpu.memory_space<vmem_shared>> -> memref<128x128xf32, #tpu.memory_space<vmem_shared>>
      %dma_start3A_138 = arith.constant 0 : i32
      %dma_start3A_139 = tpu.memref_slice %arg10[%add3A_20, %dma_start3A_138] : memref<10240x128xf32, #tpu.memory_space<vmem_shared>> -> memref<128x128xf32, #tpu.memory_space<vmem_shared>>
      tpu.enqueue_dma source(%arg9 : memref<128x128xf32, #tpu.memory_space<vmem>>) target(%dma_start3A_139 : memref<128x128xf32, #tpu.memory_space<vmem_shared>>) target_semaphore(%run_scoped3A : memref<!tpu.dma_semaphore, #tpu.memory_space<semaphore_mem>>)
      %dma_wait3A_140 = arith.constant 0 : i32
      %dma_wait3A_141 = tpu.memref_slice %arg10[%add3A_20, %dma_wait3A_140] : memref<10240x128xf32, #tpu.memory_space<vmem_shared>> -> memref<128x128xf32, #tpu.memory_space<vmem_shared>>
      %dma_wait3A_142 = arith.constant 0 : i32
      %dma_wait3A_143 = tpu.memref_slice %arg10[%add3A_20, %dma_wait3A_142] : memref<10240x128xf32, #tpu.memory_space<vmem_shared>> -> memref<128x128xf32, #tpu.memory_space<vmem_shared>>
      tpu.wait_dma2 semaphore(%run_scoped3A : memref<!tpu.dma_semaphore, #tpu.memory_space<semaphore_mem>>) src(%arg9 : memref<128x128xf32, #tpu.memory_space<vmem>>) dst(%dma_wait3A_143 : memref<128x128xf32, #tpu.memory_space<vmem_shared>>)
      tpu.yield
    }) : () -> ()
    %add3A_21 = arith.constant 256 : i32
    %add3A_22 = arith.addi %mul3A_2, %add3A_21 : i32
    "tpu.region"() ({
      %run_scoped3A = tpu.sem_alloc : memref<!tpu.dma_semaphore, #tpu.memory_space<semaphore_mem>>
      %dma_start3A_136 = arith.constant 0 : i32
      %dma_start3A_137 = tpu.memref_slice %arg10[%add3A_22, %dma_start3A_136] : memref<10240x128xf32, #tpu.memory_space<vmem_shared>> -> memref<128x128xf32, #tpu.memory_space<vmem_shared>>
      %dma_start3A_138 = arith.constant 0 : i32
      %dma_start3A_139 = tpu.memref_slice %arg10[%add3A_22, %dma_start3A_138] : memref<10240x128xf32, #tpu.memory_space<vmem_shared>> -> memref<128x128xf32, #tpu.memory_space<vmem_shared>>
      tpu.enqueue_dma source(%arg9 : memref<128x128xf32, #tpu.memory_space<vmem>>) target(%dma_start3A_139 : memref<128x128xf32, #tpu.memory_space<vmem_shared>>) target_semaphore(%run_scoped3A : memref<!tpu.dma_semaphore, #tpu.memory_space<semaphore_mem>>)
      %dma_wait3A_140 = arith.constant 0 : i32
      %dma_wait3A_141 = tpu.memref_slice %arg10[%add3A_22, %dma_wait3A_140] : memref<10240x128xf32, #tpu.memory_space<vmem_shared>> -> memref<128x128xf32, #tpu.memory_space<vmem_shared>>
      %dma_wait3A_142 = arith.constant 0 : i32
      %dma_wait3A_143 = tpu.memref_slice %arg10[%add3A_22, %dma_wait3A_142] : memref<10240x128xf32, #tpu.memory_space<vmem_shared>> -> memref<128x128xf32, #tpu.memory_space<vmem_shared>>
      tpu.wait_dma2 semaphore(%run_scoped3A : memref<!tpu.dma_semaphore, #tpu.memory_space<semaphore_mem>>) src(%arg9 : memref<128x128xf32, #tpu.memory_space<vmem>>) dst(%dma_wait3A_143 : memref<128x128xf32, #tpu.memory_space<vmem_shared>>)
      tpu.yield
    }) : () -> ()
    %add3A_23 = arith.constant 384 : i32
    %add3A_24 = arith.addi %mul3A_2, %add3A_23 : i32
    "tpu.region"() ({
      %run_scoped3A = tpu.sem_alloc : memref<!tpu.dma_semaphore, #tpu.memory_space<semaphore_mem>>
      %dma_start3A_136 = arith.constant 0 : i32
      %dma_start3A_137 = tpu.memref_slice %arg10[%add3A_24, %dma_start3A_136] : memref<10240x128xf32, #tpu.memory_space<vmem_shared>> -> memref<128x128xf32, #tpu.memory_space<vmem_shared>>
      %dma_start3A_138 = arith.constant 0 : i32
      %dma_start3A_139 = tpu.memref_slice %arg10[%add3A_24, %dma_start3A_138] : memref<10240x128xf32, #tpu.memory_space<vmem_shared>> -> memref<128x128xf32, #tpu.memory_space<vmem_shared>>
      tpu.enqueue_dma source(%arg9 : memref<128x128xf32, #tpu.memory_space<vmem>>) target(%dma_start3A_139 : memref<128x128xf32, #tpu.memory_space<vmem_shared>>) target_semaphore(%run_scoped3A : memref<!tpu.dma_semaphore, #tpu.memory_space<semaphore_mem>>)
      %dma_wait3A_140 = arith.constant 0 : i32
      %dma_wait3A_141 = tpu.memref_slice %arg10[%add3A_24, %dma_wait3A_140] : memref<10240x128xf32, #tpu.memory_space<vmem_shared>> -> memref<128x128xf32, #tpu.memory_space<vmem_shared>>
      %dma_wait3A_142 = arith.constant 0 : i32
      %dma_wait3A_143 = tpu.memref_slice %arg10[%add3A_24, %dma_wait3A_142] : memref<10240x128xf32, #tpu.memory_space<vmem_shared>> -> memref<128x128xf32, #tpu.memory_space<vmem_shared>>
      tpu.wait_dma2 semaphore(%run_scoped3A : memref<!tpu.dma_semaphore, #tpu.memory_space<semaphore_mem>>) src(%arg9 : memref<128x128xf32, #tpu.memory_space<vmem>>) dst(%dma_wait3A_143 : memref<128x128xf32, #tpu.memory_space<vmem_shared>>)
      tpu.yield
    }) : () -> ()
    %add3A_25 = arith.constant 512 : i32
    %add3A_26 = arith.addi %mul3A_2, %add3A_25 : i32
    "tpu.region"() ({
      %run_scoped3A = tpu.sem_alloc : memref<!tpu.dma_semaphore, #tpu.memory_space<semaphore_mem>>
      %dma_start3A_136 = arith.constant 0 : i32
      %dma_start3A_137 = tpu.memref_slice %arg10[%add3A_26, %dma_start3A_136] : memref<10240x128xf32, #tpu.memory_space<vmem_shared>> -> memref<128x128xf32, #tpu.memory_space<vmem_shared>>
      %dma_start3A_138 = arith.constant 0 : i32
      %dma_start3A_139 = tpu.memref_slice %arg10[%add3A_26, %dma_start3A_138] : memref<10240x128xf32, #tpu.memory_space<vmem_shared>> -> memref<128x128xf32, #tpu.memory_space<vmem_shared>>
      tpu.enqueue_dma source(%arg9 : memref<128x128xf32, #tpu.memory_space<vmem>>) target(%dma_start3A_139 : memref<128x128xf32, #tpu.memory_space<vmem_shared>>) target_semaphore(%run_scoped3A : memref<!tpu.dma_semaphore, #tpu.memory_space<semaphore_mem>>)
      %dma_wait3A_140 = arith.constant 0 : i32
      %dma_wait3A_141 = tpu.memref_slice %arg10[%add3A_26, %dma_wait3A_140] : memref<10240x128xf32, #tpu.memory_space<vmem_shared>> -> memref<128x128xf32, #tpu.memory_space<vmem_shared>>
      %dma_wait3A_142 = arith.constant 0 : i32
      %dma_wait3A_143 = tpu.memref_slice %arg10[%add3A_26, %dma_wait3A_142] : memref<10240x128xf32, #tpu.memory_space<vmem_shared>> -> memref<128x128xf32, #tpu.memory_space<vmem_shared>>
      tpu.wait_dma2 semaphore(%run_scoped3A : memref<!tpu.dma_semaphore, #tpu.memory_space<semaphore_mem>>) src(%arg9 : memref<128x128xf32, #tpu.memory_space<vmem>>) dst(%dma_wait3A_143 : memref<128x128xf32, #tpu.memory_space<vmem_shared>>)
      tpu.yield
    }) : () -> ()
    %barrier3A = arith.constant 0 : index
    tpu.barrier barrier_id(%barrier3A)
    %dma_start3A = arith.constant 0 : i32
    %dma_start3A_27 = arith.constant 0 : i32
    %dma_start3A_28 = tpu.memref_slice %arg2[%add3A, %dma_start3A, %dma_start3A_27] : memref<32x80x128xi32, #tpu.memory_space<hbm>> -> memref<1x1x128xi32, #tpu.memory_space<hbm>>
    %dma_start3A_29 = tpu.memref_squeeze %dma_start3A_28 : memref<1x1x128xi32, #tpu.memory_space<hbm>> -> memref<128xi32, #tpu.memory_space<hbm>>
    %dma_start3A_30 = arith.constant 0 : i32
    %dma_start3A_31 = tpu.memref_slice %arg2[%add3A, %dma_start3A, %dma_start3A_30] : memref<32x80x128xi32, #tpu.memory_space<hbm>> -> memref<1x1x128xi32, #tpu.memory_space<hbm>>
    %dma_start3A_32 = tpu.memref_squeeze %dma_start3A_31 : memref<1x1x128xi32, #tpu.memory_space<hbm>> -> memref<128xi32, #tpu.memory_space<hbm>>
    tpu.enqueue_dma source(%dma_start3A_32 : memref<128xi32, #tpu.memory_space<hbm>>) target(%arg6 : memref<128xi32, #tpu.memory_space<vmem>>) target_semaphore(%arg11 : memref<!tpu.dma_semaphore, #tpu.memory_space<semaphore_mem>>)
    %dma_start3A_33 = arith.constant 1 : i32
    %dma_start3A_34 = arith.constant 0 : i32
    %dma_start3A_35 = tpu.memref_slice %arg2[%add3A, %dma_start3A_33, %dma_start3A_34] : memref<32x80x128xi32, #tpu.memory_space<hbm>> -> memref<1x1x128xi32, #tpu.memory_space<hbm>>
    %dma_start3A_36 = tpu.memref_squeeze %dma_start3A_35 : memref<1x1x128xi32, #tpu.memory_space<hbm>> -> memref<128xi32, #tpu.memory_space<hbm>>
    %dma_start3A_37 = arith.constant 0 : i32
    %dma_start3A_38 = tpu.memref_slice %arg2[%add3A, %dma_start3A_33, %dma_start3A_37] : memref<32x80x128xi32, #tpu.memory_space<hbm>> -> memref<1x1x128xi32, #tpu.memory_space<hbm>>
    %dma_start3A_39 = tpu.memref_squeeze %dma_start3A_38 : memref<1x1x128xi32, #tpu.memory_space<hbm>> -> memref<128xi32, #tpu.memory_space<hbm>>
    tpu.enqueue_dma source(%dma_start3A_39 : memref<128xi32, #tpu.memory_space<hbm>>) target(%arg7 : memref<128xi32, #tpu.memory_space<vmem>>) target_semaphore(%arg12 : memref<!tpu.dma_semaphore, #tpu.memory_space<semaphore_mem>>)
    %scan3A_40 = arith.constant 0 : i32
    %scan3A_41 = arith.constant 0 : i32
    %scan3A_42 = arith.constant 40 : i32
    %scan3A_43 = arith.addi %scan3A_41, %scan3A_42 : i32
    %scan3A_44 = arith.constant 1 : i32
    scf.for %scan3A_136 = %scan3A_41 to %scan3A_43 step %scan3A_44  : i32 {
      %mul3A_137 = arith.constant 2 : i32
      %mul3A_138 = arith.muli %mul3A_137, %scan3A_136 : i32
      %dma_wait3A_139 = arith.constant 0 : i32
      %dma_wait3A_140 = tpu.memref_slice %arg2[%add3A, %mul3A_138, %dma_wait3A_139] : memref<32x80x128xi32, #tpu.memory_space<hbm>> -> memref<1x1x128xi32, #tpu.memory_space<hbm>>
      %dma_wait3A_141 = tpu.memref_squeeze %dma_wait3A_140 : memref<1x1x128xi32, #tpu.memory_space<hbm>> -> memref<128xi32, #tpu.memory_space<hbm>>
      %dma_wait3A_142 = arith.constant 0 : i32
      %dma_wait3A_143 = tpu.memref_slice %arg2[%add3A, %mul3A_138, %dma_wait3A_142] : memref<32x80x128xi32, #tpu.memory_space<hbm>> -> memref<1x1x128xi32, #tpu.memory_space<hbm>>
      %dma_wait3A_144 = tpu.memref_squeeze %dma_wait3A_143 : memref<1x1x128xi32, #tpu.memory_space<hbm>> -> memref<128xi32, #tpu.memory_space<hbm>>
      tpu.wait_dma2 semaphore(%arg11 : memref<!tpu.dma_semaphore, #tpu.memory_space<semaphore_mem>>) src(%dma_wait3A_144 : memref<128xi32, #tpu.memory_space<hbm>>) dst(%arg6 : memref<128xi32, #tpu.memory_space<vmem>>)
      "tpu.region"() ({
        %run_scoped3A = tpu.sem_alloc : memref<!tpu.dma_semaphore, #tpu.memory_space<semaphore_mem>>
        %dma_start3A_172 = arith.constant 0 : i32
        %dma_start3A_173 = arith.constant 0 : i32
        %dma_start3A_174 = tpu.memref_slice %arg10[%dma_start3A_172, %dma_start3A_173] : memref<10240x128xf32, #tpu.memory_space<vmem_shared>> -> memref<10240x128xf32, #tpu.memory_space<vmem_shared>>
        tpu.enqueue_indirect_dma source(%arg8 : memref<128x128xf32, #tpu.memory_space<vmem>>) target(%dma_start3A_174 : memref<10240x128xf32, #tpu.memory_space<vmem_shared>>) offsets(%arg6 : memref<128xi32, #tpu.memory_space<vmem>>) semaphore(%run_scoped3A : memref<!tpu.dma_semaphore, #tpu.memory_space<semaphore_mem>>) {add = true}
        %dma_wait3A_175 = arith.constant 0 : i32
        %dma_wait3A_176 = arith.constant 0 : i32
        %dma_wait3A_177 = tpu.memref_slice %arg10[%dma_wait3A_175, %dma_wait3A_176] : memref<10240x128xf32, #tpu.memory_space<vmem_shared>> -> memref<10240x128xf32, #tpu.memory_space<vmem_shared>>
        tpu.wait_indirect_dma semaphore(%run_scoped3A : memref<!tpu.dma_semaphore, #tpu.memory_space<semaphore_mem>>) src(%arg8 : memref<128x128xf32, #tpu.memory_space<vmem>>) dst(%dma_wait3A_177 : memref<10240x128xf32, #tpu.memory_space<vmem_shared>>)
        tpu.yield
      }) : () -> ()
      %add3A_145 = arith.constant 2 : i32
      %add3A_146 = arith.addi %mul3A_138, %add3A_145 : i32
      %min3A = arith.constant 78 : i32
      %min3A_147 = arith.minsi %add3A_146, %min3A : i32
      %dma_start3A_148 = arith.constant 0 : i32
      %dma_start3A_149 = tpu.memref_slice %arg2[%add3A, %min3A_147, %dma_start3A_148] : memref<32x80x128xi32, #tpu.memory_space<hbm>> -> memref<1x1x128xi32, #tpu.memory_space<hbm>>
      %dma_start3A_150 = tpu.memref_squeeze %dma_start3A_149 : memref<1x1x128xi32, #tpu.memory_space<hbm>> -> memref<128xi32, #tpu.memory_space<hbm>>
      %dma_start3A_151 = arith.constant 0 : i32
      %dma_start3A_152 = tpu.memref_slice %arg2[%add3A, %min3A_147, %dma_start3A_151] : memref<32x80x128xi32, #tpu.memory_space<hbm>> -> memref<1x1x128xi32, #tpu.memory_space<hbm>>
      %dma_start3A_153 = tpu.memref_squeeze %dma_start3A_152 : memref<1x1x128xi32, #tpu.memory_space<hbm>> -> memref<128xi32, #tpu.memory_space<hbm>>
      tpu.enqueue_dma source(%dma_start3A_153 : memref<128xi32, #tpu.memory_space<hbm>>) target(%arg6 : memref<128xi32, #tpu.memory_space<vmem>>) target_semaphore(%arg11 : memref<!tpu.dma_semaphore, #tpu.memory_space<semaphore_mem>>)
      %add3A_154 = arith.constant 1 : i32
      %add3A_155 = arith.addi %mul3A_138, %add3A_154 : i32
      %dma_wait3A_156 = arith.constant 0 : i32
      %dma_wait3A_157 = tpu.memref_slice %arg2[%add3A, %add3A_155, %dma_wait3A_156] : memref<32x80x128xi32, #tpu.memory_space<hbm>> -> memref<1x1x128xi32, #tpu.memory_space<hbm>>
      %dma_wait3A_158 = tpu.memref_squeeze %dma_wait3A_157 : memref<1x1x128xi32, #tpu.memory_space<hbm>> -> memref<128xi32, #tpu.memory_space<hbm>>
      %dma_wait3A_159 = arith.constant 0 : i32
      %dma_wait3A_160 = tpu.memref_slice %arg2[%add3A, %add3A_155, %dma_wait3A_159] : memref<32x80x128xi32, #tpu.memory_space<hbm>> -> memref<1x1x128xi32, #tpu.memory_space<hbm>>
      %dma_wait3A_161 = tpu.memref_squeeze %dma_wait3A_160 : memref<1x1x128xi32, #tpu.memory_space<hbm>> -> memref<128xi32, #tpu.memory_space<hbm>>
      tpu.wait_dma2 semaphore(%arg12 : memref<!tpu.dma_semaphore, #tpu.memory_space<semaphore_mem>>) src(%dma_wait3A_161 : memref<128xi32, #tpu.memory_space<hbm>>) dst(%arg7 : memref<128xi32, #tpu.memory_space<vmem>>)
      "tpu.region"() ({
        %run_scoped3A = tpu.sem_alloc : memref<!tpu.dma_semaphore, #tpu.memory_space<semaphore_mem>>
        %dma_start3A_172 = arith.constant 0 : i32
        %dma_start3A_173 = arith.constant 0 : i32
        %dma_start3A_174 = tpu.memref_slice %arg10[%dma_start3A_172, %dma_start3A_173] : memref<10240x128xf32, #tpu.memory_space<vmem_shared>> -> memref<10240x128xf32, #tpu.memory_space<vmem_shared>>
        tpu.enqueue_indirect_dma source(%arg8 : memref<128x128xf32, #tpu.memory_space<vmem>>) target(%dma_start3A_174 : memref<10240x128xf32, #tpu.memory_space<vmem_shared>>) offsets(%arg7 : memref<128xi32, #tpu.memory_space<vmem>>) semaphore(%run_scoped3A : memref<!tpu.dma_semaphore, #tpu.memory_space<semaphore_mem>>) {add = true}
        %dma_wait3A_175 = arith.constant 0 : i32
        %dma_wait3A_176 = arith.constant 0 : i32
        %dma_wait3A_177 = tpu.memref_slice %arg10[%dma_wait3A_175, %dma_wait3A_176] : memref<10240x128xf32, #tpu.memory_space<vmem_shared>> -> memref<10240x128xf32, #tpu.memory_space<vmem_shared>>
        tpu.wait_indirect_dma semaphore(%run_scoped3A : memref<!tpu.dma_semaphore, #tpu.memory_space<semaphore_mem>>) src(%arg8 : memref<128x128xf32, #tpu.memory_space<vmem>>) dst(%dma_wait3A_177 : memref<10240x128xf32, #tpu.memory_space<vmem_shared>>)
        tpu.yield
      }) : () -> ()
      %add3A_162 = arith.constant 2 : i32
      %add3A_163 = arith.addi %add3A_155, %add3A_162 : i32
      %min3A_164 = arith.constant 79 : i32
      %min3A_165 = arith.minsi %add3A_163, %min3A_164 : i32
      %dma_start3A_166 = arith.constant 0 : i32
      %dma_start3A_167 = tpu.memref_slice %arg2[%add3A, %min3A_165, %dma_start3A_166] : memref<32x80x128xi32, #tpu.memory_space<hbm>> -> memref<1x1x128xi32, #tpu.memory_space<hbm>>
      %dma_start3A_168 = tpu.memref_squeeze %dma_start3A_167 : memref<1x1x128xi32, #tpu.memory_space<hbm>> -> memref<128xi32, #tpu.memory_space<hbm>>
      %dma_start3A_169 = arith.constant 0 : i32
      %dma_start3A_170 = tpu.memref_slice %arg2[%add3A, %min3A_165, %dma_start3A_169] : memref<32x80x128xi32, #tpu.memory_space<hbm>> -> memref<1x1x128xi32, #tpu.memory_space<hbm>>
      %dma_start3A_171 = tpu.memref_squeeze %dma_start3A_170 : memref<1x1x128xi32, #tpu.memory_space<hbm>> -> memref<128xi32, #tpu.memory_space<hbm>>
      tpu.enqueue_dma source(%dma_start3A_171 : memref<128xi32, #tpu.memory_space<hbm>>) target(%arg7 : memref<128xi32, #tpu.memory_space<vmem>>) target_semaphore(%arg12 : memref<!tpu.dma_semaphore, #tpu.memory_space<semaphore_mem>>)
    }
    %scan3A_45 = arith.constant 40 : i32
    %dma_wait3A = arith.constant 78 : i32
    %dma_wait3A_46 = arith.constant 0 : i32
    %dma_wait3A_47 = tpu.memref_slice %arg2[%add3A, %dma_wait3A, %dma_wait3A_46] : memref<32x80x128xi32, #tpu.memory_space<hbm>> -> memref<1x1x128xi32, #tpu.memory_space<hbm>>
    %dma_wait3A_48 = tpu.memref_squeeze %dma_wait3A_47 : memref<1x1x128xi32, #tpu.memory_space<hbm>> -> memref<128xi32, #tpu.memory_space<hbm>>
    %dma_wait3A_49 = arith.constant 0 : i32
    %dma_wait3A_50 = tpu.memref_slice %arg2[%add3A, %dma_wait3A, %dma_wait3A_49] : memref<32x80x128xi32, #tpu.memory_space<hbm>> -> memref<1x1x128xi32, #tpu.memory_space<hbm>>
    %dma_wait3A_51 = tpu.memref_squeeze %dma_wait3A_50 : memref<1x1x128xi32, #tpu.memory_space<hbm>> -> memref<128xi32, #tpu.memory_space<hbm>>
    tpu.wait_dma2 semaphore(%arg11 : memref<!tpu.dma_semaphore, #tpu.memory_space<semaphore_mem>>) src(%dma_wait3A_51 : memref<128xi32, #tpu.memory_space<hbm>>) dst(%arg6 : memref<128xi32, #tpu.memory_space<vmem>>)
    %dma_wait3A_52 = arith.constant 79 : i32
    %dma_wait3A_53 = arith.constant 0 : i32
    %dma_wait3A_54 = tpu.memref_slice %arg2[%add3A, %dma_wait3A_52, %dma_wait3A_53] : memref<32x80x128xi32, #tpu.memory_space<hbm>> -> memref<1x1x128xi32, #tpu.memory_space<hbm>>
    %dma_wait3A_55 = tpu.memref_squeeze %dma_wait3A_54 : memref<1x1x128xi32, #tpu.memory_space<hbm>> -> memref<128xi32, #tpu.memory_space<hbm>>
    %dma_wait3A_56 = arith.constant 0 : i32
    %dma_wait3A_57 = tpu.memref_slice %arg2[%add3A, %dma_wait3A_52, %dma_wait3A_56] : memref<32x80x128xi32, #tpu.memory_space<hbm>> -> memref<1x1x128xi32, #tpu.memory_space<hbm>>
    %dma_wait3A_58 = tpu.memref_squeeze %dma_wait3A_57 : memref<1x1x128xi32, #tpu.memory_space<hbm>> -> memref<128xi32, #tpu.memory_space<hbm>>
    tpu.wait_dma2 semaphore(%arg12 : memref<!tpu.dma_semaphore, #tpu.memory_space<semaphore_mem>>) src(%dma_wait3A_58 : memref<128xi32, #tpu.memory_space<hbm>>) dst(%arg7 : memref<128xi32, #tpu.memory_space<vmem>>)
    %barrier3A_59 = arith.constant 0 : index
    tpu.barrier barrier_id(%barrier3A_59)
    %add3A_60 = arith.constant 0 : i32
    %add3A_61 = arith.addi %mul3A_2, %add3A_60 : i32
    "tpu.region"() ({
      %run_scoped3A = tpu.sem_alloc : memref<!tpu.dma_semaphore, #tpu.memory_space<semaphore_mem>>
      %dma_start3A_136 = arith.constant 0 : i32
      %dma_start3A_137 = tpu.memref_slice %arg10[%add3A_61, %dma_start3A_136] : memref<10240x128xf32, #tpu.memory_space<vmem_shared>> -> memref<128x128xf32, #tpu.memory_space<vmem_shared>>
      %dma_start3A_138 = arith.constant 0 : i32
      %dma_start3A_139 = tpu.memref_slice %arg10[%add3A_61, %dma_start3A_138] : memref<10240x128xf32, #tpu.memory_space<vmem_shared>> -> memref<128x128xf32, #tpu.memory_space<vmem_shared>>
      tpu.enqueue_dma source(%dma_start3A_139 : memref<128x128xf32, #tpu.memory_space<vmem_shared>>) target(%arg9 : memref<128x128xf32, #tpu.memory_space<vmem>>) target_semaphore(%run_scoped3A : memref<!tpu.dma_semaphore, #tpu.memory_space<semaphore_mem>>)
      %dma_wait3A_140 = arith.constant 0 : i32
      %dma_wait3A_141 = tpu.memref_slice %arg10[%add3A_61, %dma_wait3A_140] : memref<10240x128xf32, #tpu.memory_space<vmem_shared>> -> memref<128x128xf32, #tpu.memory_space<vmem_shared>>
      %dma_wait3A_142 = arith.constant 0 : i32
      %dma_wait3A_143 = tpu.memref_slice %arg10[%add3A_61, %dma_wait3A_142] : memref<10240x128xf32, #tpu.memory_space<vmem_shared>> -> memref<128x128xf32, #tpu.memory_space<vmem_shared>>
      tpu.wait_dma2 semaphore(%run_scoped3A : memref<!tpu.dma_semaphore, #tpu.memory_space<semaphore_mem>>) src(%dma_wait3A_143 : memref<128x128xf32, #tpu.memory_space<vmem_shared>>) dst(%arg9 : memref<128x128xf32, #tpu.memory_space<vmem>>)
      tpu.yield
    }) : () -> ()
    "tpu.region"() ({
      %run_scoped3A = tpu.sem_alloc : memref<!tpu.dma_semaphore, #tpu.memory_space<semaphore_mem>>
      %dma_start3A_136 = arith.constant 0 : i32
      %dma_start3A_137 = tpu.memref_slice %arg4[%arg0, %add3A_61, %dma_start3A_136] : memref<2x10240x128xf32, #tpu.memory_space<hbm>> -> memref<1x128x128xf32, #tpu.memory_space<hbm>>
      %dma_start3A_138 = tpu.memref_squeeze %dma_start3A_137 : memref<1x128x128xf32, #tpu.memory_space<hbm>> -> memref<128x128xf32, #tpu.memory_space<hbm>>
      %dma_start3A_139 = arith.constant 0 : i32
      %dma_start3A_140 = tpu.memref_slice %arg4[%arg0, %add3A_61, %dma_start3A_139] : memref<2x10240x128xf32, #tpu.memory_space<hbm>> -> memref<1x128x128xf32, #tpu.memory_space<hbm>>
      %dma_start3A_141 = tpu.memref_squeeze %dma_start3A_140 : memref<1x128x128xf32, #tpu.memory_space<hbm>> -> memref<128x128xf32, #tpu.memory_space<hbm>>
      tpu.enqueue_dma source(%arg9 : memref<128x128xf32, #tpu.memory_space<vmem>>) target(%dma_start3A_141 : memref<128x128xf32, #tpu.memory_space<hbm>>) target_semaphore(%run_scoped3A : memref<!tpu.dma_semaphore, #tpu.memory_space<semaphore_mem>>)
      %dma_wait3A_142 = arith.constant 0 : i32
      %dma_wait3A_143 = tpu.memref_slice %arg4[%arg0, %add3A_61, %dma_wait3A_142] : memref<2x10240x128xf32, #tpu.memory_space<hbm>> -> memref<1x128x128xf32, #tpu.memory_space<hbm>>
      %dma_wait3A_144 = tpu.memref_squeeze %dma_wait3A_143 : memref<1x128x128xf32, #tpu.memory_space<hbm>> -> memref<128x128xf32, #tpu.memory_space<hbm>>
      %dma_wait3A_145 = arith.constant 0 : i32
      %dma_wait3A_146 = tpu.memref_slice %arg4[%arg0, %add3A_61, %dma_wait3A_145] : memref<2x10240x128xf32, #tpu.memory_space<hbm>> -> memref<1x128x128xf32, #tpu.memory_space<hbm>>
      %dma_wait3A_147 = tpu.memref_squeeze %dma_wait3A_146 : memref<1x128x128xf32, #tpu.memory_space<hbm>> -> memref<128x128xf32, #tpu.memory_space<hbm>>
      tpu.wait_dma2 semaphore(%run_scoped3A : memref<!tpu.dma_semaphore, #tpu.memory_space<semaphore_mem>>) src(%arg9 : memref<128x128xf32, #tpu.memory_space<vmem>>) dst(%dma_wait3A_147 : memref<128x128xf32, #tpu.memory_space<hbm>>)
      tpu.yield
    }) : () -> ()
    %add3A_62 = arith.constant 128 : i32
    %add3A_63 = arith.addi %mul3A_2, %add3A_62 : i32
    "tpu.region"() ({
      %run_scoped3A = tpu.sem_alloc : memref<!tpu.dma_semaphore, #tpu.memory_space<semaphore_mem>>
      %dma_start3A_136 = arith.constant 0 : i32
      %dma_start3A_137 = tpu.memref_slice %arg10[%add3A_63, %dma_start3A_136] : memref<10240x128xf32, #tpu.memory_space<vmem_shared>> -> memref<128x128xf32, #tpu.memory_space<vmem_shared>>
      %dma_start3A_138 = arith.constant 0 : i32
      %dma_start3A_139 = tpu.memref_slice %arg10[%add3A_63, %dma_start3A_138] : memref<10240x128xf32, #tpu.memory_space<vmem_shared>> -> memref<128x128xf32, #tpu.memory_space<vmem_shared>>
      tpu.enqueue_dma source(%dma_start3A_139 : memref<128x128xf32, #tpu.memory_space<vmem_shared>>) target(%arg9 : memref<128x128xf32, #tpu.memory_space<vmem>>) target_semaphore(%run_scoped3A : memref<!tpu.dma_semaphore, #tpu.memory_space<semaphore_mem>>)
      %dma_wait3A_140 = arith.constant 0 : i32
      %dma_wait3A_141 = tpu.memref_slice %arg10[%add3A_63, %dma_wait3A_140] : memref<10240x128xf32, #tpu.memory_space<vmem_shared>> -> memref<128x128xf32, #tpu.memory_space<vmem_shared>>
      %dma_wait3A_142 = arith.constant 0 : i32
      %dma_wait3A_143 = tpu.memref_slice %arg10[%add3A_63, %dma_wait3A_142] : memref<10240x128xf32, #tpu.memory_space<vmem_shared>> -> memref<128x128xf32, #tpu.memory_space<vmem_shared>>
      tpu.wait_dma2 semaphore(%run_scoped3A : memref<!tpu.dma_semaphore, #tpu.memory_space<semaphore_mem>>) src(%dma_wait3A_143 : memref<128x128xf32, #tpu.memory_space<vmem_shared>>) dst(%arg9 : memref<128x128xf32, #tpu.memory_space<vmem>>)
      tpu.yield
    }) : () -> ()
    "tpu.region"() ({
      %run_scoped3A = tpu.sem_alloc : memref<!tpu.dma_semaphore, #tpu.memory_space<semaphore_mem>>
      %dma_start3A_136 = arith.constant 0 : i32
      %dma_start3A_137 = tpu.memref_slice %arg4[%arg0, %add3A_63, %dma_start3A_136] : memref<2x10240x128xf32, #tpu.memory_space<hbm>> -> memref<1x128x128xf32, #tpu.memory_space<hbm>>
      %dma_start3A_138 = tpu.memref_squeeze %dma_start3A_137 : memref<1x128x128xf32, #tpu.memory_space<hbm>> -> memref<128x128xf32, #tpu.memory_space<hbm>>
      %dma_start3A_139 = arith.constant 0 : i32
      %dma_start3A_140 = tpu.memref_slice %arg4[%arg0, %add3A_63, %dma_start3A_139] : memref<2x10240x128xf32, #tpu.memory_space<hbm>> -> memref<1x128x128xf32, #tpu.memory_space<hbm>>
      %dma_start3A_141 = tpu.memref_squeeze %dma_start3A_140 : memref<1x128x128xf32, #tpu.memory_space<hbm>> -> memref<128x128xf32, #tpu.memory_space<hbm>>
      tpu.enqueue_dma source(%arg9 : memref<128x128xf32, #tpu.memory_space<vmem>>) target(%dma_start3A_141 : memref<128x128xf32, #tpu.memory_space<hbm>>) target_semaphore(%run_scoped3A : memref<!tpu.dma_semaphore, #tpu.memory_space<semaphore_mem>>)
      %dma_wait3A_142 = arith.constant 0 : i32
      %dma_wait3A_143 = tpu.memref_slice %arg4[%arg0, %add3A_63, %dma_wait3A_142] : memref<2x10240x128xf32, #tpu.memory_space<hbm>> -> memref<1x128x128xf32, #tpu.memory_space<hbm>>
      %dma_wait3A_144 = tpu.memref_squeeze %dma_wait3A_143 : memref<1x128x128xf32, #tpu.memory_space<hbm>> -> memref<128x128xf32, #tpu.memory_space<hbm>>
      %dma_wait3A_145 = arith.constant 0 : i32
      %dma_wait3A_146 = tpu.memref_slice %arg4[%arg0, %add3A_63, %dma_wait3A_145] : memref<2x10240x128xf32, #tpu.memory_space<hbm>> -> memref<1x128x128xf32, #tpu.memory_space<hbm>>
      %dma_wait3A_147 = tpu.memref_squeeze %dma_wait3A_146 : memref<1x128x128xf32, #tpu.memory_space<hbm>> -> memref<128x128xf32, #tpu.memory_space<hbm>>
      tpu.wait_dma2 semaphore(%run_scoped3A : memref<!tpu.dma_semaphore, #tpu.memory_space<semaphore_mem>>) src(%arg9 : memref<128x128xf32, #tpu.memory_space<vmem>>) dst(%dma_wait3A_147 : memref<128x128xf32, #tpu.memory_space<hbm>>)
      tpu.yield
    }) : () -> ()
    %add3A_64 = arith.constant 256 : i32
    %add3A_65 = arith.addi %mul3A_2, %add3A_64 : i32
    "tpu.region"() ({
      %run_scoped3A = tpu.sem_alloc : memref<!tpu.dma_semaphore, #tpu.memory_space<semaphore_mem>>
      %dma_start3A_136 = arith.constant 0 : i32
      %dma_start3A_137 = tpu.memref_slice %arg10[%add3A_65, %dma_start3A_136] : memref<10240x128xf32, #tpu.memory_space<vmem_shared>> -> memref<128x128xf32, #tpu.memory_space<vmem_shared>>
      %dma_start3A_138 = arith.constant 0 : i32
      %dma_start3A_139 = tpu.memref_slice %arg10[%add3A_65, %dma_start3A_138] : memref<10240x128xf32, #tpu.memory_space<vmem_shared>> -> memref<128x128xf32, #tpu.memory_space<vmem_shared>>
      tpu.enqueue_dma source(%dma_start3A_139 : memref<128x128xf32, #tpu.memory_space<vmem_shared>>) target(%arg9 : memref<128x128xf32, #tpu.memory_space<vmem>>) target_semaphore(%run_scoped3A : memref<!tpu.dma_semaphore, #tpu.memory_space<semaphore_mem>>)
      %dma_wait3A_140 = arith.constant 0 : i32
      %dma_wait3A_141 = tpu.memref_slice %arg10[%add3A_65, %dma_wait3A_140] : memref<10240x128xf32, #tpu.memory_space<vmem_shared>> -> memref<128x128xf32, #tpu.memory_space<vmem_shared>>
      %dma_wait3A_142 = arith.constant 0 : i32
      %dma_wait3A_143 = tpu.memref_slice %arg10[%add3A_65, %dma_wait3A_142] : memref<10240x128xf32, #tpu.memory_space<vmem_shared>> -> memref<128x128xf32, #tpu.memory_space<vmem_shared>>
      tpu.wait_dma2 semaphore(%run_scoped3A : memref<!tpu.dma_semaphore, #tpu.memory_space<semaphore_mem>>) src(%dma_wait3A_143 : memref<128x128xf32, #tpu.memory_space<vmem_shared>>) dst(%arg9 : memref<128x128xf32, #tpu.memory_space<vmem>>)
      tpu.yield
    }) : () -> ()
    "tpu.region"() ({
      %run_scoped3A = tpu.sem_alloc : memref<!tpu.dma_semaphore, #tpu.memory_space<semaphore_mem>>
      %dma_start3A_136 = arith.constant 0 : i32
      %dma_start3A_137 = tpu.memref_slice %arg4[%arg0, %add3A_65, %dma_start3A_136] : memref<2x10240x128xf32, #tpu.memory_space<hbm>> -> memref<1x128x128xf32, #tpu.memory_space<hbm>>
      %dma_start3A_138 = tpu.memref_squeeze %dma_start3A_137 : memref<1x128x128xf32, #tpu.memory_space<hbm>> -> memref<128x128xf32, #tpu.memory_space<hbm>>
      %dma_start3A_139 = arith.constant 0 : i32
      %dma_start3A_140 = tpu.memref_slice %arg4[%arg0, %add3A_65, %dma_start3A_139] : memref<2x10240x128xf32, #tpu.memory_space<hbm>> -> memref<1x128x128xf32, #tpu.memory_space<hbm>>
      %dma_start3A_141 = tpu.memref_squeeze %dma_start3A_140 : memref<1x128x128xf32, #tpu.memory_space<hbm>> -> memref<128x128xf32, #tpu.memory_space<hbm>>
      tpu.enqueue_dma source(%arg9 : memref<128x128xf32, #tpu.memory_space<vmem>>) target(%dma_start3A_141 : memref<128x128xf32, #tpu.memory_space<hbm>>) target_semaphore(%run_scoped3A : memref<!tpu.dma_semaphore, #tpu.memory_space<semaphore_mem>>)
      %dma_wait3A_142 = arith.constant 0 : i32
      %dma_wait3A_143 = tpu.memref_slice %arg4[%arg0, %add3A_65, %dma_wait3A_142] : memref<2x10240x128xf32, #tpu.memory_space<hbm>> -> memref<1x128x128xf32, #tpu.memory_space<hbm>>
      %dma_wait3A_144 = tpu.memref_squeeze %dma_wait3A_143 : memref<1x128x128xf32, #tpu.memory_space<hbm>> -> memref<128x128xf32, #tpu.memory_space<hbm>>
      %dma_wait3A_145 = arith.constant 0 : i32
      %dma_wait3A_146 = tpu.memref_slice %arg4[%arg0, %add3A_65, %dma_wait3A_145] : memref<2x10240x128xf32, #tpu.memory_space<hbm>> -> memref<1x128x128xf32, #tpu.memory_space<hbm>>
      %dma_wait3A_147 = tpu.memref_squeeze %dma_wait3A_146 : memref<1x128x128xf32, #tpu.memory_space<hbm>> -> memref<128x128xf32, #tpu.memory_space<hbm>>
      tpu.wait_dma2 semaphore(%run_scoped3A : memref<!tpu.dma_semaphore, #tpu.memory_space<semaphore_mem>>) src(%arg9 : memref<128x128xf32, #tpu.memory_space<vmem>>) dst(%dma_wait3A_147 : memref<128x128xf32, #tpu.memory_space<hbm>>)
      tpu.yield
    }) : () -> ()
    %add3A_66 = arith.constant 384 : i32
    %add3A_67 = arith.addi %mul3A_2, %add3A_66 : i32
    "tpu.region"() ({
      %run_scoped3A = tpu.sem_alloc : memref<!tpu.dma_semaphore, #tpu.memory_space<semaphore_mem>>
      %dma_start3A_136 = arith.constant 0 : i32
      %dma_start3A_137 = tpu.memref_slice %arg10[%add3A_67, %dma_start3A_136] : memref<10240x128xf32, #tpu.memory_space<vmem_shared>> -> memref<128x128xf32, #tpu.memory_space<vmem_shared>>
      %dma_start3A_138 = arith.constant 0 : i32
      %dma_start3A_139 = tpu.memref_slice %arg10[%add3A_67, %dma_start3A_138] : memref<10240x128xf32, #tpu.memory_space<vmem_shared>> -> memref<128x128xf32, #tpu.memory_space<vmem_shared>>
      tpu.enqueue_dma source(%dma_start3A_139 : memref<128x128xf32, #tpu.memory_space<vmem_shared>>) target(%arg9 : memref<128x128xf32, #tpu.memory_space<vmem>>) target_semaphore(%run_scoped3A : memref<!tpu.dma_semaphore, #tpu.memory_space<semaphore_mem>>)
      %dma_wait3A_140 = arith.constant 0 : i32
      %dma_wait3A_141 = tpu.memref_slice %arg10[%add3A_67, %dma_wait3A_140] : memref<10240x128xf32, #tpu.memory_space<vmem_shared>> -> memref<128x128xf32, #tpu.memory_space<vmem_shared>>
      %dma_wait3A_142 = arith.constant 0 : i32
      %dma_wait3A_143 = tpu.memref_slice %arg10[%add3A_67, %dma_wait3A_142] : memref<10240x128xf32, #tpu.memory_space<vmem_shared>> -> memref<128x128xf32, #tpu.memory_space<vmem_shared>>
      tpu.wait_dma2 semaphore(%run_scoped3A : memref<!tpu.dma_semaphore, #tpu.memory_space<semaphore_mem>>) src(%dma_wait3A_143 : memref<128x128xf32, #tpu.memory_space<vmem_shared>>) dst(%arg9 : memref<128x128xf32, #tpu.memory_space<vmem>>)
      tpu.yield
    }) : () -> ()
    "tpu.region"() ({
      %run_scoped3A = tpu.sem_alloc : memref<!tpu.dma_semaphore, #tpu.memory_space<semaphore_mem>>
      %dma_start3A_136 = arith.constant 0 : i32
      %dma_start3A_137 = tpu.memref_slice %arg4[%arg0, %add3A_67, %dma_start3A_136] : memref<2x10240x128xf32, #tpu.memory_space<hbm>> -> memref<1x128x128xf32, #tpu.memory_space<hbm>>
      %dma_start3A_138 = tpu.memref_squeeze %dma_start3A_137 : memref<1x128x128xf32, #tpu.memory_space<hbm>> -> memref<128x128xf32, #tpu.memory_space<hbm>>
      %dma_start3A_139 = arith.constant 0 : i32
      %dma_start3A_140 = tpu.memref_slice %arg4[%arg0, %add3A_67, %dma_start3A_139] : memref<2x10240x128xf32, #tpu.memory_space<hbm>> -> memref<1x128x128xf32, #tpu.memory_space<hbm>>
      %dma_start3A_141 = tpu.memref_squeeze %dma_start3A_140 : memref<1x128x128xf32, #tpu.memory_space<hbm>> -> memref<128x128xf32, #tpu.memory_space<hbm>>
      tpu.enqueue_dma source(%arg9 : memref<128x128xf32, #tpu.memory_space<vmem>>) target(%dma_start3A_141 : memref<128x128xf32, #tpu.memory_space<hbm>>) target_semaphore(%run_scoped3A : memref<!tpu.dma_semaphore, #tpu.memory_space<semaphore_mem>>)
      %dma_wait3A_142 = arith.constant 0 : i32
      %dma_wait3A_143 = tpu.memref_slice %arg4[%arg0, %add3A_67, %dma_wait3A_142] : memref<2x10240x128xf32, #tpu.memory_space<hbm>> -> memref<1x128x128xf32, #tpu.memory_space<hbm>>
      %dma_wait3A_144 = tpu.memref_squeeze %dma_wait3A_143 : memref<1x128x128xf32, #tpu.memory_space<hbm>> -> memref<128x128xf32, #tpu.memory_space<hbm>>
      %dma_wait3A_145 = arith.constant 0 : i32
      %dma_wait3A_146 = tpu.memref_slice %arg4[%arg0, %add3A_67, %dma_wait3A_145] : memref<2x10240x128xf32, #tpu.memory_space<hbm>> -> memref<1x128x128xf32, #tpu.memory_space<hbm>>
      %dma_wait3A_147 = tpu.memref_squeeze %dma_wait3A_146 : memref<1x128x128xf32, #tpu.memory_space<hbm>> -> memref<128x128xf32, #tpu.memory_space<hbm>>
      tpu.wait_dma2 semaphore(%run_scoped3A : memref<!tpu.dma_semaphore, #tpu.memory_space<semaphore_mem>>) src(%arg9 : memref<128x128xf32, #tpu.memory_space<vmem>>) dst(%dma_wait3A_147 : memref<128x128xf32, #tpu.memory_space<hbm>>)
      tpu.yield
    }) : () -> ()
    %add3A_68 = arith.constant 512 : i32
    %add3A_69 = arith.addi %mul3A_2, %add3A_68 : i32
    "tpu.region"() ({
      %run_scoped3A = tpu.sem_alloc : memref<!tpu.dma_semaphore, #tpu.memory_space<semaphore_mem>>
      %dma_start3A_136 = arith.constant 0 : i32
      %dma_start3A_137 = tpu.memref_slice %arg10[%add3A_69, %dma_start3A_136] : memref<10240x128xf32, #tpu.memory_space<vmem_shared>> -> memref<128x128xf32, #tpu.memory_space<vmem_shared>>
      %dma_start3A_138 = arith.constant 0 : i32
      %dma_start3A_139 = tpu.memref_slice %arg10[%add3A_69, %dma_start3A_138] : memref<10240x128xf32, #tpu.memory_space<vmem_shared>> -> memref<128x128xf32, #tpu.memory_space<vmem_shared>>
      tpu.enqueue_dma source(%dma_start3A_139 : memref<128x128xf32, #tpu.memory_space<vmem_shared>>) target(%arg9 : memref<128x128xf32, #tpu.memory_space<vmem>>) target_semaphore(%run_scoped3A : memref<!tpu.dma_semaphore, #tpu.memory_space<semaphore_mem>>)
      %dma_wait3A_140 = arith.constant 0 : i32
      %dma_wait3A_141 = tpu.memref_slice %arg10[%add3A_69, %dma_wait3A_140] : memref<10240x128xf32, #tpu.memory_space<vmem_shared>> -> memref<128x128xf32, #tpu.memory_space<vmem_shared>>
      %dma_wait3A_142 = arith.constant 0 : i32
      %dma_wait3A_143 = tpu.memref_slice %arg10[%add3A_69, %dma_wait3A_142] : memref<10240x128xf32, #tpu.memory_space<vmem_shared>> -> memref<128x128xf32, #tpu.memory_space<vmem_shared>>
      tpu.wait_dma2 semaphore(%run_scoped3A : memref<!tpu.dma_semaphore, #tpu.memory_space<semaphore_mem>>) src(%dma_wait3A_143 : memref<128x128xf32, #tpu.memory_space<vmem_shared>>) dst(%arg9 : memref<128x128xf32, #tpu.memory_space<vmem>>)
      tpu.yield
    }) : () -> ()
    "tpu.region"() ({
      %run_scoped3A = tpu.sem_alloc : memref<!tpu.dma_semaphore, #tpu.memory_space<semaphore_mem>>
      %dma_start3A_136 = arith.constant 0 : i32
      %dma_start3A_137 = tpu.memref_slice %arg4[%arg0, %add3A_69, %dma_start3A_136] : memref<2x10240x128xf32, #tpu.memory_space<hbm>> -> memref<1x128x128xf32, #tpu.memory_space<hbm>>
      %dma_start3A_138 = tpu.memref_squeeze %dma_start3A_137 : memref<1x128x128xf32, #tpu.memory_space<hbm>> -> memref<128x128xf32, #tpu.memory_space<hbm>>
      %dma_start3A_139 = arith.constant 0 : i32
      %dma_start3A_140 = tpu.memref_slice %arg4[%arg0, %add3A_69, %dma_start3A_139] : memref<2x10240x128xf32, #tpu.memory_space<hbm>> -> memref<1x128x128xf32, #tpu.memory_space<hbm>>
      %dma_start3A_141 = tpu.memref_squeeze %dma_start3A_140 : memref<1x128x128xf32, #tpu.memory_space<hbm>> -> memref<128x128xf32, #tpu.memory_space<hbm>>
      tpu.enqueue_dma source(%arg9 : memref<128x128xf32, #tpu.memory_space<vmem>>) target(%dma_start3A_141 : memref<128x128xf32, #tpu.memory_space<hbm>>) target_semaphore(%run_scoped3A : memref<!tpu.dma_semaphore, #tpu.memory_space<semaphore_mem>>)
      %dma_wait3A_142 = arith.constant 0 : i32
      %dma_wait3A_143 = tpu.memref_slice %arg4[%arg0, %add3A_69, %dma_wait3A_142] : memref<2x10240x128xf32, #tpu.memory_space<hbm>> -> memref<1x128x128xf32, #tpu.memory_space<hbm>>
      %dma_wait3A_144 = tpu.memref_squeeze %dma_wait3A_143 : memref<1x128x128xf32, #tpu.memory_space<hbm>> -> memref<128x128xf32, #tpu.memory_space<hbm>>
      %dma_wait3A_145 = arith.constant 0 : i32
      %dma_wait3A_146 = tpu.memref_slice %arg4[%arg0, %add3A_69, %dma_wait3A_145] : memref<2x10240x128xf32, #tpu.memory_space<hbm>> -> memref<1x128x128xf32, #tpu.memory_space<hbm>>
      %dma_wait3A_147 = tpu.memref_squeeze %dma_wait3A_146 : memref<1x128x128xf32, #tpu.memory_space<hbm>> -> memref<128x128xf32, #tpu.memory_space<hbm>>
      tpu.wait_dma2 semaphore(%run_scoped3A : memref<!tpu.dma_semaphore, #tpu.memory_space<semaphore_mem>>) src(%arg9 : memref<128x128xf32, #tpu.memory_space<vmem>>) dst(%dma_wait3A_147 : memref<128x128xf32, #tpu.memory_space<hbm>>)
      tpu.yield
    }) : () -> ()
    %barrier3A_70 = arith.constant 0 : index
    tpu.barrier barrier_id(%barrier3A_70)
    %broadcast_in_dim3A_71 = arith.constant 0.000000e+00 : f32
    %broadcast_in_dim3A_72 = vector.broadcast %broadcast_in_dim3A_71 : f32 to vector<16xf32>
    %scan3A_73 = arith.constant 0 : i32
    %scan3A_74 = arith.constant 0 : i32
    %scan3A_75 = arith.constant 128 : i32
    %scan3A_76 = arith.addi %scan3A_74, %scan3A_75 : i32
    %scan3A_77 = arith.constant 1 : i32
    scf.for %scan3A_136 = %scan3A_74 to %scan3A_76 step %scan3A_77  : i32 {
      %swap3A = arith.index_cast %scan3A_136 : i32 to index
      %swap3A_137 = arith.constant 0 : index
      %swap3A_138 = tpu.vector_load %arg9[%swap3A, %swap3A_137] {strides = array<i32>} : memref<128x128xf32, #tpu.memory_space<vmem>>, vector<16xf32>,
      tpu.vector_store %arg9[%swap3A, %swap3A_137], %broadcast_in_dim3A_72 {strides = array<i32>} : memref<128x128xf32, #tpu.memory_space<vmem>>, vector<16xf32>,
      %swap3A_139 = arith.index_cast %scan3A_136 : i32 to index
      %swap3A_140 = arith.constant 16 : index
      %swap3A_141 = tpu.vector_load %arg9[%swap3A_139, %swap3A_140] {strides = array<i32>} : memref<128x128xf32, #tpu.memory_space<vmem>>, vector<16xf32>,
      tpu.vector_store %arg9[%swap3A_139, %swap3A_140], %broadcast_in_dim3A_72 {strides = array<i32>} : memref<128x128xf32, #tpu.memory_space<vmem>>, vector<16xf32>,
      %swap3A_142 = arith.index_cast %scan3A_136 : i32 to index
      %swap3A_143 = arith.constant 32 : index
      %swap3A_144 = tpu.vector_load %arg9[%swap3A_142, %swap3A_143] {strides = array<i32>} : memref<128x128xf32, #tpu.memory_space<vmem>>, vector<16xf32>,
      tpu.vector_store %arg9[%swap3A_142, %swap3A_143], %broadcast_in_dim3A_72 {strides = array<i32>} : memref<128x128xf32, #tpu.memory_space<vmem>>, vector<16xf32>,
      %swap3A_145 = arith.index_cast %scan3A_136 : i32 to index
      %swap3A_146 = arith.constant 48 : index
      %swap3A_147 = tpu.vector_load %arg9[%swap3A_145, %swap3A_146] {strides = array<i32>} : memref<128x128xf32, #tpu.memory_space<vmem>>, vector<16xf32>,
      tpu.vector_store %arg9[%swap3A_145, %swap3A_146], %broadcast_in_dim3A_72 {strides = array<i32>} : memref<128x128xf32, #tpu.memory_space<vmem>>, vector<16xf32>,
      %swap3A_148 = arith.index_cast %scan3A_136 : i32 to index
      %swap3A_149 = arith.constant 64 : index
      %swap3A_150 = tpu.vector_load %arg9[%swap3A_148, %swap3A_149] {strides = array<i32>} : memref<128x128xf32, #tpu.memory_space<vmem>>, vector<16xf32>,
      tpu.vector_store %arg9[%swap3A_148, %swap3A_149], %broadcast_in_dim3A_72 {strides = array<i32>} : memref<128x128xf32, #tpu.memory_space<vmem>>, vector<16xf32>,
      %swap3A_151 = arith.index_cast %scan3A_136 : i32 to index
      %swap3A_152 = arith.constant 80 : index
      %swap3A_153 = tpu.vector_load %arg9[%swap3A_151, %swap3A_152] {strides = array<i32>} : memref<128x128xf32, #tpu.memory_space<vmem>>, vector<16xf32>,
      tpu.vector_store %arg9[%swap3A_151, %swap3A_152], %broadcast_in_dim3A_72 {strides = array<i32>} : memref<128x128xf32, #tpu.memory_space<vmem>>, vector<16xf32>,
      %swap3A_154 = arith.index_cast %scan3A_136 : i32 to index
      %swap3A_155 = arith.constant 96 : index
      %swap3A_156 = tpu.vector_load %arg9[%swap3A_154, %swap3A_155] {strides = array<i32>} : memref<128x128xf32, #tpu.memory_space<vmem>>, vector<16xf32>,
      tpu.vector_store %arg9[%swap3A_154, %swap3A_155], %broadcast_in_dim3A_72 {strides = array<i32>} : memref<128x128xf32, #tpu.memory_space<vmem>>, vector<16xf32>,
      %swap3A_157 = arith.index_cast %scan3A_136 : i32 to index
      %swap3A_158 = arith.constant 112 : index
      %swap3A_159 = tpu.vector_load %arg9[%swap3A_157, %swap3A_158] {strides = array<i32>} : memref<128x128xf32, #tpu.memory_space<vmem>>, vector<16xf32>,
      tpu.vector_store %arg9[%swap3A_157, %swap3A_158], %broadcast_in_dim3A_72 {strides = array<i32>} : memref<128x128xf32, #tpu.memory_space<vmem>>, vector<16xf32>,
    }
    %scan3A_78 = arith.constant 128 : i32
    %add3A_79 = arith.constant 0 : i32
    %add3A_80 = arith.addi %mul3A_2, %add3A_79 : i32
    "tpu.region"() ({
      %run_scoped3A = tpu.sem_alloc : memref<!tpu.dma_semaphore, #tpu.memory_space<semaphore_mem>>
      %dma_start3A_136 = arith.constant 0 : i32
      %dma_start3A_137 = tpu.memref_slice %arg10[%add3A_80, %dma_start3A_136] : memref<10240x128xf32, #tpu.memory_space<vmem_shared>> -> memref<128x128xf32, #tpu.memory_space<vmem_shared>>
      %dma_start3A_138 = arith.constant 0 : i32
      %dma_start3A_139 = tpu.memref_slice %arg10[%add3A_80, %dma_start3A_138] : memref<10240x128xf32, #tpu.memory_space<vmem_shared>> -> memref<128x128xf32, #tpu.memory_space<vmem_shared>>
      tpu.enqueue_dma source(%arg9 : memref<128x128xf32, #tpu.memory_space<vmem>>) target(%dma_start3A_139 : memref<128x128xf32, #tpu.memory_space<vmem_shared>>) target_semaphore(%run_scoped3A : memref<!tpu.dma_semaphore, #tpu.memory_space<semaphore_mem>>)
      %dma_wait3A_140 = arith.constant 0 : i32
      %dma_wait3A_141 = tpu.memref_slice %arg10[%add3A_80, %dma_wait3A_140] : memref<10240x128xf32, #tpu.memory_space<vmem_shared>> -> memref<128x128xf32, #tpu.memory_space<vmem_shared>>
      %dma_wait3A_142 = arith.constant 0 : i32
      %dma_wait3A_143 = tpu.memref_slice %arg10[%add3A_80, %dma_wait3A_142] : memref<10240x128xf32, #tpu.memory_space<vmem_shared>> -> memref<128x128xf32, #tpu.memory_space<vmem_shared>>
      tpu.wait_dma2 semaphore(%run_scoped3A : memref<!tpu.dma_semaphore, #tpu.memory_space<semaphore_mem>>) src(%arg9 : memref<128x128xf32, #tpu.memory_space<vmem>>) dst(%dma_wait3A_143 : memref<128x128xf32, #tpu.memory_space<vmem_shared>>)
      tpu.yield
    }) : () -> ()
    %add3A_81 = arith.constant 128 : i32
    %add3A_82 = arith.addi %mul3A_2, %add3A_81 : i32
    "tpu.region"() ({
      %run_scoped3A = tpu.sem_alloc : memref<!tpu.dma_semaphore, #tpu.memory_space<semaphore_mem>>
      %dma_start3A_136 = arith.constant 0 : i32
      %dma_start3A_137 = tpu.memref_slice %arg10[%add3A_82, %dma_start3A_136] : memref<10240x128xf32, #tpu.memory_space<vmem_shared>> -> memref<128x128xf32, #tpu.memory_space<vmem_shared>>
      %dma_start3A_138 = arith.constant 0 : i32
      %dma_start3A_139 = tpu.memref_slice %arg10[%add3A_82, %dma_start3A_138] : memref<10240x128xf32, #tpu.memory_space<vmem_shared>> -> memref<128x128xf32, #tpu.memory_space<vmem_shared>>
      tpu.enqueue_dma source(%arg9 : memref<128x128xf32, #tpu.memory_space<vmem>>) target(%dma_start3A_139 : memref<128x128xf32, #tpu.memory_space<vmem_shared>>) target_semaphore(%run_scoped3A : memref<!tpu.dma_semaphore, #tpu.memory_space<semaphore_mem>>)
      %dma_wait3A_140 = arith.constant 0 : i32
      %dma_wait3A_141 = tpu.memref_slice %arg10[%add3A_82, %dma_wait3A_140] : memref<10240x128xf32, #tpu.memory_space<vmem_shared>> -> memref<128x128xf32, #tpu.memory_space<vmem_shared>>
      %dma_wait3A_142 = arith.constant 0 : i32
      %dma_wait3A_143 = tpu.memref_slice %arg10[%add3A_82, %dma_wait3A_142] : memref<10240x128xf32, #tpu.memory_space<vmem_shared>> -> memref<128x128xf32, #tpu.memory_space<vmem_shared>>
      tpu.wait_dma2 semaphore(%run_scoped3A : memref<!tpu.dma_semaphore, #tpu.memory_space<semaphore_mem>>) src(%arg9 : memref<128x128xf32, #tpu.memory_space<vmem>>) dst(%dma_wait3A_143 : memref<128x128xf32, #tpu.memory_space<vmem_shared>>)
      tpu.yield
    }) : () -> ()
    %add3A_83 = arith.constant 256 : i32
    %add3A_84 = arith.addi %mul3A_2, %add3A_83 : i32
    "tpu.region"() ({
      %run_scoped3A = tpu.sem_alloc : memref<!tpu.dma_semaphore, #tpu.memory_space<semaphore_mem>>
      %dma_start3A_136 = arith.constant 0 : i32
      %dma_start3A_137 = tpu.memref_slice %arg10[%add3A_84, %dma_start3A_136] : memref<10240x128xf32, #tpu.memory_space<vmem_shared>> -> memref<128x128xf32, #tpu.memory_space<vmem_shared>>
      %dma_start3A_138 = arith.constant 0 : i32
      %dma_start3A_139 = tpu.memref_slice %arg10[%add3A_84, %dma_start3A_138] : memref<10240x128xf32, #tpu.memory_space<vmem_shared>> -> memref<128x128xf32, #tpu.memory_space<vmem_shared>>
      tpu.enqueue_dma source(%arg9 : memref<128x128xf32, #tpu.memory_space<vmem>>) target(%dma_start3A_139 : memref<128x128xf32, #tpu.memory_space<vmem_shared>>) target_semaphore(%run_scoped3A : memref<!tpu.dma_semaphore, #tpu.memory_space<semaphore_mem>>)
      %dma_wait3A_140 = arith.constant 0 : i32
      %dma_wait3A_141 = tpu.memref_slice %arg10[%add3A_84, %dma_wait3A_140] : memref<10240x128xf32, #tpu.memory_space<vmem_shared>> -> memref<128x128xf32, #tpu.memory_space<vmem_shared>>
      %dma_wait3A_142 = arith.constant 0 : i32
      %dma_wait3A_143 = tpu.memref_slice %arg10[%add3A_84, %dma_wait3A_142] : memref<10240x128xf32, #tpu.memory_space<vmem_shared>> -> memref<128x128xf32, #tpu.memory_space<vmem_shared>>
      tpu.wait_dma2 semaphore(%run_scoped3A : memref<!tpu.dma_semaphore, #tpu.memory_space<semaphore_mem>>) src(%arg9 : memref<128x128xf32, #tpu.memory_space<vmem>>) dst(%dma_wait3A_143 : memref<128x128xf32, #tpu.memory_space<vmem_shared>>)
      tpu.yield
    }) : () -> ()
    %add3A_85 = arith.constant 384 : i32
    %add3A_86 = arith.addi %mul3A_2, %add3A_85 : i32
    "tpu.region"() ({
      %run_scoped3A = tpu.sem_alloc : memref<!tpu.dma_semaphore, #tpu.memory_space<semaphore_mem>>
      %dma_start3A_136 = arith.constant 0 : i32
      %dma_start3A_137 = tpu.memref_slice %arg10[%add3A_86, %dma_start3A_136] : memref<10240x128xf32, #tpu.memory_space<vmem_shared>> -> memref<128x128xf32, #tpu.memory_space<vmem_shared>>
      %dma_start3A_138 = arith.constant 0 : i32
      %dma_start3A_139 = tpu.memref_slice %arg10[%add3A_86, %dma_start3A_138] : memref<10240x128xf32, #tpu.memory_space<vmem_shared>> -> memref<128x128xf32, #tpu.memory_space<vmem_shared>>
      tpu.enqueue_dma source(%arg9 : memref<128x128xf32, #tpu.memory_space<vmem>>) target(%dma_start3A_139 : memref<128x128xf32, #tpu.memory_space<vmem_shared>>) target_semaphore(%run_scoped3A : memref<!tpu.dma_semaphore, #tpu.memory_space<semaphore_mem>>)
      %dma_wait3A_140 = arith.constant 0 : i32
      %dma_wait3A_141 = tpu.memref_slice %arg10[%add3A_86, %dma_wait3A_140] : memref<10240x128xf32, #tpu.memory_space<vmem_shared>> -> memref<128x128xf32, #tpu.memory_space<vmem_shared>>
      %dma_wait3A_142 = arith.constant 0 : i32
      %dma_wait3A_143 = tpu.memref_slice %arg10[%add3A_86, %dma_wait3A_142] : memref<10240x128xf32, #tpu.memory_space<vmem_shared>> -> memref<128x128xf32, #tpu.memory_space<vmem_shared>>
      tpu.wait_dma2 semaphore(%run_scoped3A : memref<!tpu.dma_semaphore, #tpu.memory_space<semaphore_mem>>) src(%arg9 : memref<128x128xf32, #tpu.memory_space<vmem>>) dst(%dma_wait3A_143 : memref<128x128xf32, #tpu.memory_space<vmem_shared>>)
      tpu.yield
    }) : () -> ()
    %add3A_87 = arith.constant 512 : i32
    %add3A_88 = arith.addi %mul3A_2, %add3A_87 : i32
    "tpu.region"() ({
      %run_scoped3A = tpu.sem_alloc : memref<!tpu.dma_semaphore, #tpu.memory_space<semaphore_mem>>
      %dma_start3A_136 = arith.constant 0 : i32
      %dma_start3A_137 = tpu.memref_slice %arg10[%add3A_88, %dma_start3A_136] : memref<10240x128xf32, #tpu.memory_space<vmem_shared>> -> memref<128x128xf32, #tpu.memory_space<vmem_shared>>
      %dma_start3A_138 = arith.constant 0 : i32
      %dma_start3A_139 = tpu.memref_slice %arg10[%add3A_88, %dma_start3A_138] : memref<10240x128xf32, #tpu.memory_space<vmem_shared>> -> memref<128x128xf32, #tpu.memory_space<vmem_shared>>
      tpu.enqueue_dma source(%arg9 : memref<128x128xf32, #tpu.memory_space<vmem>>) target(%dma_start3A_139 : memref<128x128xf32, #tpu.memory_space<vmem_shared>>) target_semaphore(%run_scoped3A : memref<!tpu.dma_semaphore, #tpu.memory_space<semaphore_mem>>)
      %dma_wait3A_140 = arith.constant 0 : i32
      %dma_wait3A_141 = tpu.memref_slice %arg10[%add3A_88, %dma_wait3A_140] : memref<10240x128xf32, #tpu.memory_space<vmem_shared>> -> memref<128x128xf32, #tpu.memory_space<vmem_shared>>
      %dma_wait3A_142 = arith.constant 0 : i32
      %dma_wait3A_143 = tpu.memref_slice %arg10[%add3A_88, %dma_wait3A_142] : memref<10240x128xf32, #tpu.memory_space<vmem_shared>> -> memref<128x128xf32, #tpu.memory_space<vmem_shared>>
      tpu.wait_dma2 semaphore(%run_scoped3A : memref<!tpu.dma_semaphore, #tpu.memory_space<semaphore_mem>>) src(%arg9 : memref<128x128xf32, #tpu.memory_space<vmem>>) dst(%dma_wait3A_143 : memref<128x128xf32, #tpu.memory_space<vmem_shared>>)
      tpu.yield
    }) : () -> ()
    %barrier3A_89 = arith.constant 0 : index
    tpu.barrier barrier_id(%barrier3A_89)
    %dma_start3A_90 = arith.constant 0 : i32
    %dma_start3A_91 = arith.constant 0 : i32
    %dma_start3A_92 = tpu.memref_slice %arg3[%add3A, %dma_start3A_90, %dma_start3A_91] : memref<32x80x128xi32, #tpu.memory_space<hbm>> -> memref<1x1x128xi32, #tpu.memory_space<hbm>>
    %dma_start3A_93 = tpu.memref_squeeze %dma_start3A_92 : memref<1x1x128xi32, #tpu.memory_space<hbm>> -> memref<128xi32, #tpu.memory_space<hbm>>
    %dma_start3A_94 = arith.constant 0 : i32
    %dma_start3A_95 = tpu.memref_slice %arg3[%add3A, %dma_start3A_90, %dma_start3A_94] : memref<32x80x128xi32, #tpu.memory_space<hbm>> -> memref<1x1x128xi32, #tpu.memory_space<hbm>>
    %dma_start3A_96 = tpu.memref_squeeze %dma_start3A_95 : memref<1x1x128xi32, #tpu.memory_space<hbm>> -> memref<128xi32, #tpu.memory_space<hbm>>
    tpu.enqueue_dma source(%dma_start3A_96 : memref<128xi32, #tpu.memory_space<hbm>>) target(%arg6 : memref<128xi32, #tpu.memory_space<vmem>>) target_semaphore(%arg11 : memref<!tpu.dma_semaphore, #tpu.memory_space<semaphore_mem>>)
    %dma_start3A_97 = arith.constant 1 : i32
    %dma_start3A_98 = arith.constant 0 : i32
    %dma_start3A_99 = tpu.memref_slice %arg3[%add3A, %dma_start3A_97, %dma_start3A_98] : memref<32x80x128xi32, #tpu.memory_space<hbm>> -> memref<1x1x128xi32, #tpu.memory_space<hbm>>
    %dma_start3A_100 = tpu.memref_squeeze %dma_start3A_99 : memref<1x1x128xi32, #tpu.memory_space<hbm>> -> memref<128xi32, #tpu.memory_space<hbm>>
    %dma_start3A_101 = arith.constant 0 : i32
    %dma_start3A_102 = tpu.memref_slice %arg3[%add3A, %dma_start3A_97, %dma_start3A_101] : memref<32x80x128xi32, #tpu.memory_space<hbm>> -> memref<1x1x128xi32, #tpu.memory_space<hbm>>
    %dma_start3A_103 = tpu.memref_squeeze %dma_start3A_102 : memref<1x1x128xi32, #tpu.memory_space<hbm>> -> memref<128xi32, #tpu.memory_space<hbm>>
    tpu.enqueue_dma source(%dma_start3A_103 : memref<128xi32, #tpu.memory_space<hbm>>) target(%arg7 : memref<128xi32, #tpu.memory_space<vmem>>) target_semaphore(%arg12 : memref<!tpu.dma_semaphore, #tpu.memory_space<semaphore_mem>>)
    %scan3A_104 = arith.constant 0 : i32
    %scan3A_105 = arith.constant 0 : i32
    %scan3A_106 = arith.constant 40 : i32
    %scan3A_107 = arith.addi %scan3A_105, %scan3A_106 : i32
    %scan3A_108 = arith.constant 1 : i32
    scf.for %scan3A_136 = %scan3A_105 to %scan3A_107 step %scan3A_108  : i32 {
      %mul3A_137 = arith.constant 2 : i32
      %mul3A_138 = arith.muli %mul3A_137, %scan3A_136 : i32
      %dma_wait3A_139 = arith.constant 0 : i32
      %dma_wait3A_140 = tpu.memref_slice %arg3[%add3A, %mul3A_138, %dma_wait3A_139] : memref<32x80x128xi32, #tpu.memory_space<hbm>> -> memref<1x1x128xi32, #tpu.memory_space<hbm>>
      %dma_wait3A_141 = tpu.memref_squeeze %dma_wait3A_140 : memref<1x1x128xi32, #tpu.memory_space<hbm>> -> memref<128xi32, #tpu.memory_space<hbm>>
      %dma_wait3A_142 = arith.constant 0 : i32
      %dma_wait3A_143 = tpu.memref_slice %arg3[%add3A, %mul3A_138, %dma_wait3A_142] : memref<32x80x128xi32, #tpu.memory_space<hbm>> -> memref<1x1x128xi32, #tpu.memory_space<hbm>>
      %dma_wait3A_144 = tpu.memref_squeeze %dma_wait3A_143 : memref<1x1x128xi32, #tpu.memory_space<hbm>> -> memref<128xi32, #tpu.memory_space<hbm>>
      tpu.wait_dma2 semaphore(%arg11 : memref<!tpu.dma_semaphore, #tpu.memory_space<semaphore_mem>>) src(%dma_wait3A_144 : memref<128xi32, #tpu.memory_space<hbm>>) dst(%arg6 : memref<128xi32, #tpu.memory_space<vmem>>)
      "tpu.region"() ({
        %run_scoped3A = tpu.sem_alloc : memref<!tpu.dma_semaphore, #tpu.memory_space<semaphore_mem>>
        %dma_start3A_172 = arith.constant 0 : i32
        %dma_start3A_173 = arith.constant 0 : i32
        %dma_start3A_174 = tpu.memref_slice %arg10[%dma_start3A_172, %dma_start3A_173] : memref<10240x128xf32, #tpu.memory_space<vmem_shared>> -> memref<10240x128xf32, #tpu.memory_space<vmem_shared>>
        tpu.enqueue_indirect_dma source(%arg8 : memref<128x128xf32, #tpu.memory_space<vmem>>) target(%dma_start3A_174 : memref<10240x128xf32, #tpu.memory_space<vmem_shared>>) offsets(%arg6 : memref<128xi32, #tpu.memory_space<vmem>>) semaphore(%run_scoped3A : memref<!tpu.dma_semaphore, #tpu.memory_space<semaphore_mem>>) {add = true}
        %dma_wait3A_175 = arith.constant 0 : i32
        %dma_wait3A_176 = arith.constant 0 : i32
        %dma_wait3A_177 = tpu.memref_slice %arg10[%dma_wait3A_175, %dma_wait3A_176] : memref<10240x128xf32, #tpu.memory_space<vmem_shared>> -> memref<10240x128xf32, #tpu.memory_space<vmem_shared>>
        tpu.wait_indirect_dma semaphore(%run_scoped3A : memref<!tpu.dma_semaphore, #tpu.memory_space<semaphore_mem>>) src(%arg8 : memref<128x128xf32, #tpu.memory_space<vmem>>) dst(%dma_wait3A_177 : memref<10240x128xf32, #tpu.memory_space<vmem_shared>>)
        tpu.yield
      }) : () -> ()
      %add3A_145 = arith.constant 2 : i32
      %add3A_146 = arith.addi %mul3A_138, %add3A_145 : i32
      %min3A = arith.constant 78 : i32
      %min3A_147 = arith.minsi %add3A_146, %min3A : i32
      %dma_start3A_148 = arith.constant 0 : i32
      %dma_start3A_149 = tpu.memref_slice %arg3[%add3A, %min3A_147, %dma_start3A_148] : memref<32x80x128xi32, #tpu.memory_space<hbm>> -> memref<1x1x128xi32, #tpu.memory_space<hbm>>
      %dma_start3A_150 = tpu.memref_squeeze %dma_start3A_149 : memref<1x1x128xi32, #tpu.memory_space<hbm>> -> memref<128xi32, #tpu.memory_space<hbm>>
      %dma_start3A_151 = arith.constant 0 : i32
      %dma_start3A_152 = tpu.memref_slice %arg3[%add3A, %min3A_147, %dma_start3A_151] : memref<32x80x128xi32, #tpu.memory_space<hbm>> -> memref<1x1x128xi32, #tpu.memory_space<hbm>>
      %dma_start3A_153 = tpu.memref_squeeze %dma_start3A_152 : memref<1x1x128xi32, #tpu.memory_space<hbm>> -> memref<128xi32, #tpu.memory_space<hbm>>
      tpu.enqueue_dma source(%dma_start3A_153 : memref<128xi32, #tpu.memory_space<hbm>>) target(%arg6 : memref<128xi32, #tpu.memory_space<vmem>>) target_semaphore(%arg11 : memref<!tpu.dma_semaphore, #tpu.memory_space<semaphore_mem>>)
      %add3A_154 = arith.constant 1 : i32
      %add3A_155 = arith.addi %mul3A_138, %add3A_154 : i32
      %dma_wait3A_156 = arith.constant 0 : i32
      %dma_wait3A_157 = tpu.memref_slice %arg3[%add3A, %add3A_155, %dma_wait3A_156] : memref<32x80x128xi32, #tpu.memory_space<hbm>> -> memref<1x1x128xi32, #tpu.memory_space<hbm>>
      %dma_wait3A_158 = tpu.memref_squeeze %dma_wait3A_157 : memref<1x1x128xi32, #tpu.memory_space<hbm>> -> memref<128xi32, #tpu.memory_space<hbm>>
      %dma_wait3A_159 = arith.constant 0 : i32
      %dma_wait3A_160 = tpu.memref_slice %arg3[%add3A, %add3A_155, %dma_wait3A_159] : memref<32x80x128xi32, #tpu.memory_space<hbm>> -> memref<1x1x128xi32, #tpu.memory_space<hbm>>
      %dma_wait3A_161 = tpu.memref_squeeze %dma_wait3A_160 : memref<1x1x128xi32, #tpu.memory_space<hbm>> -> memref<128xi32, #tpu.memory_space<hbm>>
      tpu.wait_dma2 semaphore(%arg12 : memref<!tpu.dma_semaphore, #tpu.memory_space<semaphore_mem>>) src(%dma_wait3A_161 : memref<128xi32, #tpu.memory_space<hbm>>) dst(%arg7 : memref<128xi32, #tpu.memory_space<vmem>>)
      "tpu.region"() ({
        %run_scoped3A = tpu.sem_alloc : memref<!tpu.dma_semaphore, #tpu.memory_space<semaphore_mem>>
        %dma_start3A_172 = arith.constant 0 : i32
        %dma_start3A_173 = arith.constant 0 : i32
        %dma_start3A_174 = tpu.memref_slice %arg10[%dma_start3A_172, %dma_start3A_173] : memref<10240x128xf32, #tpu.memory_space<vmem_shared>> -> memref<10240x128xf32, #tpu.memory_space<vmem_shared>>
        tpu.enqueue_indirect_dma source(%arg8 : memref<128x128xf32, #tpu.memory_space<vmem>>) target(%dma_start3A_174 : memref<10240x128xf32, #tpu.memory_space<vmem_shared>>) offsets(%arg7 : memref<128xi32, #tpu.memory_space<vmem>>) semaphore(%run_scoped3A : memref<!tpu.dma_semaphore, #tpu.memory_space<semaphore_mem>>) {add = true}
        %dma_wait3A_175 = arith.constant 0 : i32
        %dma_wait3A_176 = arith.constant 0 : i32
        %dma_wait3A_177 = tpu.memref_slice %arg10[%dma_wait3A_175, %dma_wait3A_176] : memref<10240x128xf32, #tpu.memory_space<vmem_shared>> -> memref<10240x128xf32, #tpu.memory_space<vmem_shared>>
        tpu.wait_indirect_dma semaphore(%run_scoped3A : memref<!tpu.dma_semaphore, #tpu.memory_space<semaphore_mem>>) src(%arg8 : memref<128x128xf32, #tpu.memory_space<vmem>>) dst(%dma_wait3A_177 : memref<10240x128xf32, #tpu.memory_space<vmem_shared>>)
        tpu.yield
      }) : () -> ()
      %add3A_162 = arith.constant 2 : i32
      %add3A_163 = arith.addi %add3A_155, %add3A_162 : i32
      %min3A_164 = arith.constant 79 : i32
      %min3A_165 = arith.minsi %add3A_163, %min3A_164 : i32
      %dma_start3A_166 = arith.constant 0 : i32
      %dma_start3A_167 = tpu.memref_slice %arg3[%add3A, %min3A_165, %dma_start3A_166] : memref<32x80x128xi32, #tpu.memory_space<hbm>> -> memref<1x1x128xi32, #tpu.memory_space<hbm>>
      %dma_start3A_168 = tpu.memref_squeeze %dma_start3A_167 : memref<1x1x128xi32, #tpu.memory_space<hbm>> -> memref<128xi32, #tpu.memory_space<hbm>>
      %dma_start3A_169 = arith.constant 0 : i32
      %dma_start3A_170 = tpu.memref_slice %arg3[%add3A, %min3A_165, %dma_start3A_169] : memref<32x80x128xi32, #tpu.memory_space<hbm>> -> memref<1x1x128xi32, #tpu.memory_space<hbm>>
      %dma_start3A_171 = tpu.memref_squeeze %dma_start3A_170 : memref<1x1x128xi32, #tpu.memory_space<hbm>> -> memref<128xi32, #tpu.memory_space<hbm>>
      tpu.enqueue_dma source(%dma_start3A_171 : memref<128xi32, #tpu.memory_space<hbm>>) target(%arg7 : memref<128xi32, #tpu.memory_space<vmem>>) target_semaphore(%arg12 : memref<!tpu.dma_semaphore, #tpu.memory_space<semaphore_mem>>)
    }
    %scan3A_109 = arith.constant 40 : i32
    %dma_wait3A_110 = arith.constant 78 : i32
    %dma_wait3A_111 = arith.constant 0 : i32
    %dma_wait3A_112 = tpu.memref_slice %arg3[%add3A, %dma_wait3A_110, %dma_wait3A_111] : memref<32x80x128xi32, #tpu.memory_space<hbm>> -> memref<1x1x128xi32, #tpu.memory_space<hbm>>
    %dma_wait3A_113 = tpu.memref_squeeze %dma_wait3A_112 : memref<1x1x128xi32, #tpu.memory_space<hbm>> -> memref<128xi32, #tpu.memory_space<hbm>>
    %dma_wait3A_114 = arith.constant 0 : i32
    %dma_wait3A_115 = tpu.memref_slice %arg3[%add3A, %dma_wait3A_110, %dma_wait3A_114] : memref<32x80x128xi32, #tpu.memory_space<hbm>> -> memref<1x1x128xi32, #tpu.memory_space<hbm>>
    %dma_wait3A_116 = tpu.memref_squeeze %dma_wait3A_115 : memref<1x1x128xi32, #tpu.memory_space<hbm>> -> memref<128xi32, #tpu.memory_space<hbm>>
    tpu.wait_dma2 semaphore(%arg11 : memref<!tpu.dma_semaphore, #tpu.memory_space<semaphore_mem>>) src(%dma_wait3A_116 : memref<128xi32, #tpu.memory_space<hbm>>) dst(%arg6 : memref<128xi32, #tpu.memory_space<vmem>>)
    %dma_wait3A_117 = arith.constant 79 : i32
    %dma_wait3A_118 = arith.constant 0 : i32
    %dma_wait3A_119 = tpu.memref_slice %arg3[%add3A, %dma_wait3A_117, %dma_wait3A_118] : memref<32x80x128xi32, #tpu.memory_space<hbm>> -> memref<1x1x128xi32, #tpu.memory_space<hbm>>
    %dma_wait3A_120 = tpu.memref_squeeze %dma_wait3A_119 : memref<1x1x128xi32, #tpu.memory_space<hbm>> -> memref<128xi32, #tpu.memory_space<hbm>>
    %dma_wait3A_121 = arith.constant 0 : i32
    %dma_wait3A_122 = tpu.memref_slice %arg3[%add3A, %dma_wait3A_117, %dma_wait3A_121] : memref<32x80x128xi32, #tpu.memory_space<hbm>> -> memref<1x1x128xi32, #tpu.memory_space<hbm>>
    %dma_wait3A_123 = tpu.memref_squeeze %dma_wait3A_122 : memref<1x1x128xi32, #tpu.memory_space<hbm>> -> memref<128xi32, #tpu.memory_space<hbm>>
    tpu.wait_dma2 semaphore(%arg12 : memref<!tpu.dma_semaphore, #tpu.memory_space<semaphore_mem>>) src(%dma_wait3A_123 : memref<128xi32, #tpu.memory_space<hbm>>) dst(%arg7 : memref<128xi32, #tpu.memory_space<vmem>>)
    %barrier3A_124 = arith.constant 0 : index
    tpu.barrier barrier_id(%barrier3A_124)
    %add3A_125 = arith.constant 0 : i32
    %add3A_126 = arith.addi %mul3A_2, %add3A_125 : i32
    "tpu.region"() ({
      %run_scoped3A = tpu.sem_alloc : memref<!tpu.dma_semaphore, #tpu.memory_space<semaphore_mem>>
      %dma_start3A_136 = arith.constant 0 : i32
      %dma_start3A_137 = tpu.memref_slice %arg10[%add3A_126, %dma_start3A_136] : memref<10240x128xf32, #tpu.memory_space<vmem_shared>> -> memref<128x128xf32, #tpu.memory_space<vmem_shared>>
      %dma_start3A_138 = arith.constant 0 : i32
      %dma_start3A_139 = tpu.memref_slice %arg10[%add3A_126, %dma_start3A_138] : memref<10240x128xf32, #tpu.memory_space<vmem_shared>> -> memref<128x128xf32, #tpu.memory_space<vmem_shared>>
      tpu.enqueue_dma source(%dma_start3A_139 : memref<128x128xf32, #tpu.memory_space<vmem_shared>>) target(%arg9 : memref<128x128xf32, #tpu.memory_space<vmem>>) target_semaphore(%run_scoped3A : memref<!tpu.dma_semaphore, #tpu.memory_space<semaphore_mem>>)
      %dma_wait3A_140 = arith.constant 0 : i32
      %dma_wait3A_141 = tpu.memref_slice %arg10[%add3A_126, %dma_wait3A_140] : memref<10240x128xf32, #tpu.memory_space<vmem_shared>> -> memref<128x128xf32, #tpu.memory_space<vmem_shared>>
      %dma_wait3A_142 = arith.constant 0 : i32
      %dma_wait3A_143 = tpu.memref_slice %arg10[%add3A_126, %dma_wait3A_142] : memref<10240x128xf32, #tpu.memory_space<vmem_shared>> -> memref<128x128xf32, #tpu.memory_space<vmem_shared>>
      tpu.wait_dma2 semaphore(%run_scoped3A : memref<!tpu.dma_semaphore, #tpu.memory_space<semaphore_mem>>) src(%dma_wait3A_143 : memref<128x128xf32, #tpu.memory_space<vmem_shared>>) dst(%arg9 : memref<128x128xf32, #tpu.memory_space<vmem>>)
      tpu.yield
    }) : () -> ()
    "tpu.region"() ({
      %run_scoped3A = tpu.sem_alloc : memref<!tpu.dma_semaphore, #tpu.memory_space<semaphore_mem>>
      %dma_start3A_136 = arith.constant 0 : i32
      %dma_start3A_137 = tpu.memref_slice %arg5[%arg0, %add3A_126, %dma_start3A_136] : memref<2x10240x128xf32, #tpu.memory_space<hbm>> -> memref<1x128x128xf32, #tpu.memory_space<hbm>>
      %dma_start3A_138 = tpu.memref_squeeze %dma_start3A_137 : memref<1x128x128xf32, #tpu.memory_space<hbm>> -> memref<128x128xf32, #tpu.memory_space<hbm>>
      %dma_start3A_139 = arith.constant 0 : i32
      %dma_start3A_140 = tpu.memref_slice %arg5[%arg0, %add3A_126, %dma_start3A_139] : memref<2x10240x128xf32, #tpu.memory_space<hbm>> -> memref<1x128x128xf32, #tpu.memory_space<hbm>>
      %dma_start3A_141 = tpu.memref_squeeze %dma_start3A_140 : memref<1x128x128xf32, #tpu.memory_space<hbm>> -> memref<128x128xf32, #tpu.memory_space<hbm>>
      tpu.enqueue_dma source(%arg9 : memref<128x128xf32, #tpu.memory_space<vmem>>) target(%dma_start3A_141 : memref<128x128xf32, #tpu.memory_space<hbm>>) target_semaphore(%run_scoped3A : memref<!tpu.dma_semaphore, #tpu.memory_space<semaphore_mem>>)
      %dma_wait3A_142 = arith.constant 0 : i32
      %dma_wait3A_143 = tpu.memref_slice %arg5[%arg0, %add3A_126, %dma_wait3A_142] : memref<2x10240x128xf32, #tpu.memory_space<hbm>> -> memref<1x128x128xf32, #tpu.memory_space<hbm>>
      %dma_wait3A_144 = tpu.memref_squeeze %dma_wait3A_143 : memref<1x128x128xf32, #tpu.memory_space<hbm>> -> memref<128x128xf32, #tpu.memory_space<hbm>>
      %dma_wait3A_145 = arith.constant 0 : i32
      %dma_wait3A_146 = tpu.memref_slice %arg5[%arg0, %add3A_126, %dma_wait3A_145] : memref<2x10240x128xf32, #tpu.memory_space<hbm>> -> memref<1x128x128xf32, #tpu.memory_space<hbm>>
      %dma_wait3A_147 = tpu.memref_squeeze %dma_wait3A_146 : memref<1x128x128xf32, #tpu.memory_space<hbm>> -> memref<128x128xf32, #tpu.memory_space<hbm>>
      tpu.wait_dma2 semaphore(%run_scoped3A : memref<!tpu.dma_semaphore, #tpu.memory_space<semaphore_mem>>) src(%arg9 : memref<128x128xf32, #tpu.memory_space<vmem>>) dst(%dma_wait3A_147 : memref<128x128xf32, #tpu.memory_space<hbm>>)
      tpu.yield
    }) : () -> ()
    %add3A_127 = arith.constant 128 : i32
    %add3A_128 = arith.addi %mul3A_2, %add3A_127 : i32
    "tpu.region"() ({
      %run_scoped3A = tpu.sem_alloc : memref<!tpu.dma_semaphore, #tpu.memory_space<semaphore_mem>>
      %dma_start3A_136 = arith.constant 0 : i32
      %dma_start3A_137 = tpu.memref_slice %arg10[%add3A_128, %dma_start3A_136] : memref<10240x128xf32, #tpu.memory_space<vmem_shared>> -> memref<128x128xf32, #tpu.memory_space<vmem_shared>>
      %dma_start3A_138 = arith.constant 0 : i32
      %dma_start3A_139 = tpu.memref_slice %arg10[%add3A_128, %dma_start3A_138] : memref<10240x128xf32, #tpu.memory_space<vmem_shared>> -> memref<128x128xf32, #tpu.memory_space<vmem_shared>>
      tpu.enqueue_dma source(%dma_start3A_139 : memref<128x128xf32, #tpu.memory_space<vmem_shared>>) target(%arg9 : memref<128x128xf32, #tpu.memory_space<vmem>>) target_semaphore(%run_scoped3A : memref<!tpu.dma_semaphore, #tpu.memory_space<semaphore_mem>>)
      %dma_wait3A_140 = arith.constant 0 : i32
      %dma_wait3A_141 = tpu.memref_slice %arg10[%add3A_128, %dma_wait3A_140] : memref<10240x128xf32, #tpu.memory_space<vmem_shared>> -> memref<128x128xf32, #tpu.memory_space<vmem_shared>>
      %dma_wait3A_142 = arith.constant 0 : i32
      %dma_wait3A_143 = tpu.memref_slice %arg10[%add3A_128, %dma_wait3A_142] : memref<10240x128xf32, #tpu.memory_space<vmem_shared>> -> memref<128x128xf32, #tpu.memory_space<vmem_shared>>
      tpu.wait_dma2 semaphore(%run_scoped3A : memref<!tpu.dma_semaphore, #tpu.memory_space<semaphore_mem>>) src(%dma_wait3A_143 : memref<128x128xf32, #tpu.memory_space<vmem_shared>>) dst(%arg9 : memref<128x128xf32, #tpu.memory_space<vmem>>)
      tpu.yield
    }) : () -> ()
    "tpu.region"() ({
      %run_scoped3A = tpu.sem_alloc : memref<!tpu.dma_semaphore, #tpu.memory_space<semaphore_mem>>
      %dma_start3A_136 = arith.constant 0 : i32
      %dma_start3A_137 = tpu.memref_slice %arg5[%arg0, %add3A_128, %dma_start3A_136] : memref<2x10240x128xf32, #tpu.memory_space<hbm>> -> memref<1x128x128xf32, #tpu.memory_space<hbm>>
      %dma_start3A_138 = tpu.memref_squeeze %dma_start3A_137 : memref<1x128x128xf32, #tpu.memory_space<hbm>> -> memref<128x128xf32, #tpu.memory_space<hbm>>
      %dma_start3A_139 = arith.constant 0 : i32
      %dma_start3A_140 = tpu.memref_slice %arg5[%arg0, %add3A_128, %dma_start3A_139] : memref<2x10240x128xf32, #tpu.memory_space<hbm>> -> memref<1x128x128xf32, #tpu.memory_space<hbm>>
      %dma_start3A_141 = tpu.memref_squeeze %dma_start3A_140 : memref<1x128x128xf32, #tpu.memory_space<hbm>> -> memref<128x128xf32, #tpu.memory_space<hbm>>
      tpu.enqueue_dma source(%arg9 : memref<128x128xf32, #tpu.memory_space<vmem>>) target(%dma_start3A_141 : memref<128x128xf32, #tpu.memory_space<hbm>>) target_semaphore(%run_scoped3A : memref<!tpu.dma_semaphore, #tpu.memory_space<semaphore_mem>>)
      %dma_wait3A_142 = arith.constant 0 : i32
      %dma_wait3A_143 = tpu.memref_slice %arg5[%arg0, %add3A_128, %dma_wait3A_142] : memref<2x10240x128xf32, #tpu.memory_space<hbm>> -> memref<1x128x128xf32, #tpu.memory_space<hbm>>
      %dma_wait3A_144 = tpu.memref_squeeze %dma_wait3A_143 : memref<1x128x128xf32, #tpu.memory_space<hbm>> -> memref<128x128xf32, #tpu.memory_space<hbm>>
      %dma_wait3A_145 = arith.constant 0 : i32
      %dma_wait3A_146 = tpu.memref_slice %arg5[%arg0, %add3A_128, %dma_wait3A_145] : memref<2x10240x128xf32, #tpu.memory_space<hbm>> -> memref<1x128x128xf32, #tpu.memory_space<hbm>>
      %dma_wait3A_147 = tpu.memref_squeeze %dma_wait3A_146 : memref<1x128x128xf32, #tpu.memory_space<hbm>> -> memref<128x128xf32, #tpu.memory_space<hbm>>
      tpu.wait_dma2 semaphore(%run_scoped3A : memref<!tpu.dma_semaphore, #tpu.memory_space<semaphore_mem>>) src(%arg9 : memref<128x128xf32, #tpu.memory_space<vmem>>) dst(%dma_wait3A_147 : memref<128x128xf32, #tpu.memory_space<hbm>>)
      tpu.yield
    }) : () -> ()
    %add3A_129 = arith.constant 256 : i32
    %add3A_130 = arith.addi %mul3A_2, %add3A_129 : i32
    "tpu.region"() ({
      %run_scoped3A = tpu.sem_alloc : memref<!tpu.dma_semaphore, #tpu.memory_space<semaphore_mem>>
      %dma_start3A_136 = arith.constant 0 : i32
      %dma_start3A_137 = tpu.memref_slice %arg10[%add3A_130, %dma_start3A_136] : memref<10240x128xf32, #tpu.memory_space<vmem_shared>> -> memref<128x128xf32, #tpu.memory_space<vmem_shared>>
      %dma_start3A_138 = arith.constant 0 : i32
      %dma_start3A_139 = tpu.memref_slice %arg10[%add3A_130, %dma_start3A_138] : memref<10240x128xf32, #tpu.memory_space<vmem_shared>> -> memref<128x128xf32, #tpu.memory_space<vmem_shared>>
      tpu.enqueue_dma source(%dma_start3A_139 : memref<128x128xf32, #tpu.memory_space<vmem_shared>>) target(%arg9 : memref<128x128xf32, #tpu.memory_space<vmem>>) target_semaphore(%run_scoped3A : memref<!tpu.dma_semaphore, #tpu.memory_space<semaphore_mem>>)
      %dma_wait3A_140 = arith.constant 0 : i32
      %dma_wait3A_141 = tpu.memref_slice %arg10[%add3A_130, %dma_wait3A_140] : memref<10240x128xf32, #tpu.memory_space<vmem_shared>> -> memref<128x128xf32, #tpu.memory_space<vmem_shared>>
      %dma_wait3A_142 = arith.constant 0 : i32
      %dma_wait3A_143 = tpu.memref_slice %arg10[%add3A_130, %dma_wait3A_142] : memref<10240x128xf32, #tpu.memory_space<vmem_shared>> -> memref<128x128xf32, #tpu.memory_space<vmem_shared>>
      tpu.wait_dma2 semaphore(%run_scoped3A : memref<!tpu.dma_semaphore, #tpu.memory_space<semaphore_mem>>) src(%dma_wait3A_143 : memref<128x128xf32, #tpu.memory_space<vmem_shared>>) dst(%arg9 : memref<128x128xf32, #tpu.memory_space<vmem>>)
      tpu.yield
    }) : () -> ()
    "tpu.region"() ({
      %run_scoped3A = tpu.sem_alloc : memref<!tpu.dma_semaphore, #tpu.memory_space<semaphore_mem>>
      %dma_start3A_136 = arith.constant 0 : i32
      %dma_start3A_137 = tpu.memref_slice %arg5[%arg0, %add3A_130, %dma_start3A_136] : memref<2x10240x128xf32, #tpu.memory_space<hbm>> -> memref<1x128x128xf32, #tpu.memory_space<hbm>>
      %dma_start3A_138 = tpu.memref_squeeze %dma_start3A_137 : memref<1x128x128xf32, #tpu.memory_space<hbm>> -> memref<128x128xf32, #tpu.memory_space<hbm>>
      %dma_start3A_139 = arith.constant 0 : i32
      %dma_start3A_140 = tpu.memref_slice %arg5[%arg0, %add3A_130, %dma_start3A_139] : memref<2x10240x128xf32, #tpu.memory_space<hbm>> -> memref<1x128x128xf32, #tpu.memory_space<hbm>>
      %dma_start3A_141 = tpu.memref_squeeze %dma_start3A_140 : memref<1x128x128xf32, #tpu.memory_space<hbm>> -> memref<128x128xf32, #tpu.memory_space<hbm>>
      tpu.enqueue_dma source(%arg9 : memref<128x128xf32, #tpu.memory_space<vmem>>) target(%dma_start3A_141 : memref<128x128xf32, #tpu.memory_space<hbm>>) target_semaphore(%run_scoped3A : memref<!tpu.dma_semaphore, #tpu.memory_space<semaphore_mem>>)
      %dma_wait3A_142 = arith.constant 0 : i32
      %dma_wait3A_143 = tpu.memref_slice %arg5[%arg0, %add3A_130, %dma_wait3A_142] : memref<2x10240x128xf32, #tpu.memory_space<hbm>> -> memref<1x128x128xf32, #tpu.memory_space<hbm>>
      %dma_wait3A_144 = tpu.memref_squeeze %dma_wait3A_143 : memref<1x128x128xf32, #tpu.memory_space<hbm>> -> memref<128x128xf32, #tpu.memory_space<hbm>>
      %dma_wait3A_145 = arith.constant 0 : i32
      %dma_wait3A_146 = tpu.memref_slice %arg5[%arg0, %add3A_130, %dma_wait3A_145] : memref<2x10240x128xf32, #tpu.memory_space<hbm>> -> memref<1x128x128xf32, #tpu.memory_space<hbm>>
      %dma_wait3A_147 = tpu.memref_squeeze %dma_wait3A_146 : memref<1x128x128xf32, #tpu.memory_space<hbm>> -> memref<128x128xf32, #tpu.memory_space<hbm>>
      tpu.wait_dma2 semaphore(%run_scoped3A : memref<!tpu.dma_semaphore, #tpu.memory_space<semaphore_mem>>) src(%arg9 : memref<128x128xf32, #tpu.memory_space<vmem>>) dst(%dma_wait3A_147 : memref<128x128xf32, #tpu.memory_space<hbm>>)
      tpu.yield
    }) : () -> ()
    %add3A_131 = arith.constant 384 : i32
    %add3A_132 = arith.addi %mul3A_2, %add3A_131 : i32
    "tpu.region"() ({
      %run_scoped3A = tpu.sem_alloc : memref<!tpu.dma_semaphore, #tpu.memory_space<semaphore_mem>>
      %dma_start3A_136 = arith.constant 0 : i32
      %dma_start3A_137 = tpu.memref_slice %arg10[%add3A_132, %dma_start3A_136] : memref<10240x128xf32, #tpu.memory_space<vmem_shared>> -> memref<128x128xf32, #tpu.memory_space<vmem_shared>>
      %dma_start3A_138 = arith.constant 0 : i32
      %dma_start3A_139 = tpu.memref_slice %arg10[%add3A_132, %dma_start3A_138] : memref<10240x128xf32, #tpu.memory_space<vmem_shared>> -> memref<128x128xf32, #tpu.memory_space<vmem_shared>>
      tpu.enqueue_dma source(%dma_start3A_139 : memref<128x128xf32, #tpu.memory_space<vmem_shared>>) target(%arg9 : memref<128x128xf32, #tpu.memory_space<vmem>>) target_semaphore(%run_scoped3A : memref<!tpu.dma_semaphore, #tpu.memory_space<semaphore_mem>>)
      %dma_wait3A_140 = arith.constant 0 : i32
      %dma_wait3A_141 = tpu.memref_slice %arg10[%add3A_132, %dma_wait3A_140] : memref<10240x128xf32, #tpu.memory_space<vmem_shared>> -> memref<128x128xf32, #tpu.memory_space<vmem_shared>>
      %dma_wait3A_142 = arith.constant 0 : i32
      %dma_wait3A_143 = tpu.memref_slice %arg10[%add3A_132, %dma_wait3A_142] : memref<10240x128xf32, #tpu.memory_space<vmem_shared>> -> memref<128x128xf32, #tpu.memory_space<vmem_shared>>
      tpu.wait_dma2 semaphore(%run_scoped3A : memref<!tpu.dma_semaphore, #tpu.memory_space<semaphore_mem>>) src(%dma_wait3A_143 : memref<128x128xf32, #tpu.memory_space<vmem_shared>>) dst(%arg9 : memref<128x128xf32, #tpu.memory_space<vmem>>)
      tpu.yield
    }) : () -> ()
    "tpu.region"() ({
      %run_scoped3A = tpu.sem_alloc : memref<!tpu.dma_semaphore, #tpu.memory_space<semaphore_mem>>
      %dma_start3A_136 = arith.constant 0 : i32
      %dma_start3A_137 = tpu.memref_slice %arg5[%arg0, %add3A_132, %dma_start3A_136] : memref<2x10240x128xf32, #tpu.memory_space<hbm>> -> memref<1x128x128xf32, #tpu.memory_space<hbm>>
      %dma_start3A_138 = tpu.memref_squeeze %dma_start3A_137 : memref<1x128x128xf32, #tpu.memory_space<hbm>> -> memref<128x128xf32, #tpu.memory_space<hbm>>
      %dma_start3A_139 = arith.constant 0 : i32
      %dma_start3A_140 = tpu.memref_slice %arg5[%arg0, %add3A_132, %dma_start3A_139] : memref<2x10240x128xf32, #tpu.memory_space<hbm>> -> memref<1x128x128xf32, #tpu.memory_space<hbm>>
      %dma_start3A_141 = tpu.memref_squeeze %dma_start3A_140 : memref<1x128x128xf32, #tpu.memory_space<hbm>> -> memref<128x128xf32, #tpu.memory_space<hbm>>
      tpu.enqueue_dma source(%arg9 : memref<128x128xf32, #tpu.memory_space<vmem>>) target(%dma_start3A_141 : memref<128x128xf32, #tpu.memory_space<hbm>>) target_semaphore(%run_scoped3A : memref<!tpu.dma_semaphore, #tpu.memory_space<semaphore_mem>>)
      %dma_wait3A_142 = arith.constant 0 : i32
      %dma_wait3A_143 = tpu.memref_slice %arg5[%arg0, %add3A_132, %dma_wait3A_142] : memref<2x10240x128xf32, #tpu.memory_space<hbm>> -> memref<1x128x128xf32, #tpu.memory_space<hbm>>
      %dma_wait3A_144 = tpu.memref_squeeze %dma_wait3A_143 : memref<1x128x128xf32, #tpu.memory_space<hbm>> -> memref<128x128xf32, #tpu.memory_space<hbm>>
      %dma_wait3A_145 = arith.constant 0 : i32
      %dma_wait3A_146 = tpu.memref_slice %arg5[%arg0, %add3A_132, %dma_wait3A_145] : memref<2x10240x128xf32, #tpu.memory_space<hbm>> -> memref<1x128x128xf32, #tpu.memory_space<hbm>>
      %dma_wait3A_147 = tpu.memref_squeeze %dma_wait3A_146 : memref<1x128x128xf32, #tpu.memory_space<hbm>> -> memref<128x128xf32, #tpu.memory_space<hbm>>
      tpu.wait_dma2 semaphore(%run_scoped3A : memref<!tpu.dma_semaphore, #tpu.memory_space<semaphore_mem>>) src(%arg9 : memref<128x128xf32, #tpu.memory_space<vmem>>) dst(%dma_wait3A_147 : memref<128x128xf32, #tpu.memory_space<hbm>>)
      tpu.yield
    }) : () -> ()
    %add3A_133 = arith.constant 512 : i32
    %add3A_134 = arith.addi %mul3A_2, %add3A_133 : i32
    "tpu.region"() ({
      %run_scoped3A = tpu.sem_alloc : memref<!tpu.dma_semaphore, #tpu.memory_space<semaphore_mem>>
      %dma_start3A_136 = arith.constant 0 : i32
      %dma_start3A_137 = tpu.memref_slice %arg10[%add3A_134, %dma_start3A_136] : memref<10240x128xf32, #tpu.memory_space<vmem_shared>> -> memref<128x128xf32, #tpu.memory_space<vmem_shared>>
      %dma_start3A_138 = arith.constant 0 : i32
      %dma_start3A_139 = tpu.memref_slice %arg10[%add3A_134, %dma_start3A_138] : memref<10240x128xf32, #tpu.memory_space<vmem_shared>> -> memref<128x128xf32, #tpu.memory_space<vmem_shared>>
      tpu.enqueue_dma source(%dma_start3A_139 : memref<128x128xf32, #tpu.memory_space<vmem_shared>>) target(%arg9 : memref<128x128xf32, #tpu.memory_space<vmem>>) target_semaphore(%run_scoped3A : memref<!tpu.dma_semaphore, #tpu.memory_space<semaphore_mem>>)
      %dma_wait3A_140 = arith.constant 0 : i32
      %dma_wait3A_141 = tpu.memref_slice %arg10[%add3A_134, %dma_wait3A_140] : memref<10240x128xf32, #tpu.memory_space<vmem_shared>> -> memref<128x128xf32, #tpu.memory_space<vmem_shared>>
      %dma_wait3A_142 = arith.constant 0 : i32
      %dma_wait3A_143 = tpu.memref_slice %arg10[%add3A_134, %dma_wait3A_142] : memref<10240x128xf32, #tpu.memory_space<vmem_shared>> -> memref<128x128xf32, #tpu.memory_space<vmem_shared>>
      tpu.wait_dma2 semaphore(%run_scoped3A : memref<!tpu.dma_semaphore, #tpu.memory_space<semaphore_mem>>) src(%dma_wait3A_143 : memref<128x128xf32, #tpu.memory_space<vmem_shared>>) dst(%arg9 : memref<128x128xf32, #tpu.memory_space<vmem>>)
      tpu.yield
    }) : () -> ()
    "tpu.region"() ({
      %run_scoped3A = tpu.sem_alloc : memref<!tpu.dma_semaphore, #tpu.memory_space<semaphore_mem>>
      %dma_start3A_136 = arith.constant 0 : i32
      %dma_start3A_137 = tpu.memref_slice %arg5[%arg0, %add3A_134, %dma_start3A_136] : memref<2x10240x128xf32, #tpu.memory_space<hbm>> -> memref<1x128x128xf32, #tpu.memory_space<hbm>>
      %dma_start3A_138 = tpu.memref_squeeze %dma_start3A_137 : memref<1x128x128xf32, #tpu.memory_space<hbm>> -> memref<128x128xf32, #tpu.memory_space<hbm>>
      %dma_start3A_139 = arith.constant 0 : i32
      %dma_start3A_140 = tpu.memref_slice %arg5[%arg0, %add3A_134, %dma_start3A_139] : memref<2x10240x128xf32, #tpu.memory_space<hbm>> -> memref<1x128x128xf32, #tpu.memory_space<hbm>>
      %dma_start3A_141 = tpu.memref_squeeze %dma_start3A_140 : memref<1x128x128xf32, #tpu.memory_space<hbm>> -> memref<128x128xf32, #tpu.memory_space<hbm>>
      tpu.enqueue_dma source(%arg9 : memref<128x128xf32, #tpu.memory_space<vmem>>) target(%dma_start3A_141 : memref<128x128xf32, #tpu.memory_space<hbm>>) target_semaphore(%run_scoped3A : memref<!tpu.dma_semaphore, #tpu.memory_space<semaphore_mem>>)
      %dma_wait3A_142 = arith.constant 0 : i32
      %dma_wait3A_143 = tpu.memref_slice %arg5[%arg0, %add3A_134, %dma_wait3A_142] : memref<2x10240x128xf32, #tpu.memory_space<hbm>> -> memref<1x128x128xf32, #tpu.memory_space<hbm>>
      %dma_wait3A_144 = tpu.memref_squeeze %dma_wait3A_143 : memref<1x128x128xf32, #tpu.memory_space<hbm>> -> memref<128x128xf32, #tpu.memory_space<hbm>>
      %dma_wait3A_145 = arith.constant 0 : i32
      %dma_wait3A_146 = tpu.memref_slice %arg5[%arg0, %add3A_134, %dma_wait3A_145] : memref<2x10240x128xf32, #tpu.memory_space<hbm>> -> memref<1x128x128xf32, #tpu.memory_space<hbm>>
      %dma_wait3A_147 = tpu.memref_squeeze %dma_wait3A_146 : memref<1x128x128xf32, #tpu.memory_space<hbm>> -> memref<128x128xf32, #tpu.memory_space<hbm>>
      tpu.wait_dma2 semaphore(%run_scoped3A : memref<!tpu.dma_semaphore, #tpu.memory_space<semaphore_mem>>) src(%arg9 : memref<128x128xf32, #tpu.memory_space<vmem>>) dst(%dma_wait3A_147 : memref<128x128xf32, #tpu.memory_space<hbm>>)
      tpu.yield
    }) : () -> ()
    %barrier3A_135 = arith.constant 0 : index
    tpu.barrier barrier_id(%barrier3A_135)
    return
  }
}

</mosaic_0001>

<sc_bundles>
// kernel: _sc_degrees.3.cloned.1.call-start
scs
__scs_entry_jumppad:
0x0: {  	(pc) =	sbr.rel $0x88, $3  }
0x1: {  	(tag) =	ssettag $0x0;
	lr =	simm.s32 $0x1  }
0x2: {  	[smem:$0x3F9F] =	sst lr;
	_ =	strace $0xD0000000  }
0x3: {  	_ = 	snop  }
0x4: {  	_ = 	snop  }
0x5: {  	_ = 	snop  }
0x6: {  	_ = 	snop  }
0x7: {  	_ = 	snop  }
__scs_overlays_trampoline_lowered:
0x8: {  	[smem:$0x3FAE] =	sst s0  }
0x9: {  	[smem:$0x3FAF] =	sst s1  }
0xa: {  	[smem:$0x3FB0] =	sst s2  }
0xb: {  	[smem:$0x3FB1] =	sst s3  }
0xc: {  	[smem:$0x3FB2] =	sst s4  }
0xd: {  	[smem:$0x3FB3] =	sst s5  }
0xe: {  	[smem:$0x3FB4] =	sst s6  }
0xf: {  	[smem:$0x3FB5] =	sst s7  }
0x10: {  	[smem:$0x3FB6] =	sst s8  }
0x11: {  	[smem:$0x3FB7] =	sst s9;
	s0 =	simm.s32 @!p0 $0x0  }
0x12: {  	s1 =	sld [smem:$0x3F9D];
	s0 =	simm.s32 @p0 $0x1  }
0x13: {  	[smem:$0x3FB8] =	sst s0;
	s0 =	simm.s32 @!p1 $0x0  }
0x14: {  	s2 =	sld [smem:$0x3F9C];
	s0 =	simm.s32 @p1 $0x1  }
0x15: {  	[smem:$0x3FB9] =	sst s0;
	s0 =	simm.s32 @!p2 $0x0  }
0x16: {  	s3 =	sld [smem:$0x3FDB];
	s0 =	simm.s32 @p2 $0x1  }
0x17: {  	s4 =	simm.s32 $0x1BF5;
	[smem:$0x3FBB] =	sst s0  }
0x18: {  	s0 =	sld [smem:$0x3F9E];
	_ =	swait.ge [sflag:s4], $0x0  }
0x19: {  	s7 =	sld [smem:$0x3F9F]  }
0x1a: {  	s8 =	sadd.s32 $0xFFFFE003, lr  }
0x1b: {  	s9 =	sadd.s32 $0xFFFFFEF7, lr;
	s5 =	simm.s32 $0xFFFFFFFF;
	p2 =	slt.u32 s8, $0xFFFFF086  }
0x1c: {  	p1 =	slt.u32 s9, $0xF7A;
	s5 =	simm.s32 @!p2 $0x0  }
0x1d: {  	s5 =	simm.s32 @p1 $0x1;
	p0 =	seq.s32 s7, s2  }
0x1e: {  	s7 =	smul.u32 @!p0 $0xF7A, s2;
	p2 =	seq.s32 @!p0 s5, $0x0  }
0x1f: {  	s9 =	smul.u32 $0xF7A, s1;
	s8 =	simm.s32 @!p0 $0x1BF5;
	p2 =	por !p2, p0  }
0x20: {  	[sflag:s8] =	ssyncset.s32 @!p0 $0xFFFFF086;
	s6 =	sadd.s32 @!p0 s3, s7;
	s7 =	simm.s32 @!p0 $0x108  }
0x21: {  	s3 =	sadd.s32 s3, s9;
	s6 =	sadd.s32 @!p0 $0x88, s6;
	s7 =	simm.s32 @p2 $0x1082  }
0x22: {  	[simem:s7], [sflag:s8] =	dma.local @!p0 [hbm:s6], $0xF7A  }
0x23: {  	s9 =	sor.u32 $0xD0000000, s2;
	s6 =	simm.s32 $0x108;
	_ =	swait.ge @!p0 [sflag:s8], $0x0  }
0x24: {  	s3 =	sadd.s32 $0x88, s3;
	s6 =	simm.s32 @!p1 $0x1082;
	[sflag:s4] =	ssyncset.s32 $0xFFFFF086  }
0x25: {  	[simem:s6], [sflag:s4] =	dma.local [hbm:s3], $0xF7A  }
0x26: {  	[smem:$0x3F9F] =	sst s1;
	(tag) =	ssettag s2;
	_ =	strace s9  }
0x27: {  	s1 =	sld [smem:$0x3FAF]  }
0x28: {  	s2 =	sld [smem:$0x3FB0]  }
0x29: {  	s4 =	sld [smem:$0x3FB2]  }
0x2a: {  	p0 =	seq.s32 s5, $0x0;
	s5 =	sld [smem:$0x3FB3]  }
0x2b: {  	s6 =	sld [smem:$0x3FB4]  }
0x2c: {  	s7 =	sld [smem:$0x3FB5]  }
0x2d: {  	s3 =	simm.s32 $0x108;
	s8 =	sld [smem:$0x3FB6]  }
0x2e: {  	s3 =	simm.s32 @!p0 $0x1082;
	s9 =	sld [smem:$0x3FB7]  }
0x2f: {  	lr =	sadd.s32 s0, s3;
	s0 =	sld [smem:$0x3FAE]  }
0x30: {  	s3 =	sld [smem:$0x3FB1]  }
0x31: {  	[smem:$0x3FBA] =	sst s10  }
0x32: {  	s10 =	sld [smem:$0x3FB8];
	_ =	sdelay $0x3  }
0x33: {  	p0 =	seq.s32 s10, $0x1;
	s10 =	sld [smem:$0x3FBA];
	_ =	sdelay $0x3  }
0x34: {  	[smem:$0x3FBA] =	sst s10  }
0x35: {  	s10 =	sld [smem:$0x3FB9];
	_ =	sdelay $0x3  }
0x36: {  	p1 =	seq.s32 s10, $0x1;
	s10 =	sld [smem:$0x3FBA];
	_ =	sdelay $0x3  }
0x37: {  	[smem:$0x3FBA] =	sst s10  }
0x38: {  	s10 =	sld [smem:$0x3FBB]  }
0x39: {  	_ = 	snop;
	(pc) =	sbr.ind lr, $3  }
0x3a: {  	_ = 	snop  }
0x3b: {  	_ = 	snop  }
0x3c: {  	p2 =	seq.s32 s10, $0x1;
	s10 =	sld [smem:$0x3FBA]  }
0x3d: {  	_ =	shalt  }
0x3e: {  	_ =	shalt  }
0x3f: {  	_ =	shalt  }
0x40: {  	_ =	shalt  }
0x41: {  	_ =	shalt  }
0x42: {  	_ =	shalt  }
0x43: {  	_ =	shalt  }
0x44: {  	_ =	shalt  }
0x45: {  	_ =	shalt  }
0x46: {  	_ =	shalt  }
0x47: {  	_ =	shalt  }
0x48: {  	_ =	shalt  }
0x49: {  	_ =	shalt  }
0x4a: {  	_ =	shalt  }
0x4b: {  	_ =	shalt  }
0x4c: {  	_ =	shalt  }
0x4d: {  	_ =	shalt  }
0x4e: {  	_ =	shalt  }
0x4f: {  	_ =	shalt  }
0x50: {  	_ =	shalt  }
0x51: {  	_ =	shalt  }
0x52: {  	_ =	shalt  }
0x53: {  	_ =	shalt  }
0x54: {  	_ =	shalt  }
0x55: {  	_ =	shalt  }
0x56: {  	_ =	shalt  }
0x57: {  	_ =	shalt  }
0x58: {  	_ =	shalt  }
0x59: {  	_ =	shalt  }
0x5a: {  	_ =	shalt  }
0x5b: {  	_ =	shalt  }
0x5c: {  	_ =	shalt  }
0x5d: {  	_ =	shalt  }
0x5e: {  	_ =	shalt  }
0x5f: {  	_ =	shalt  }
0x60: {  	_ =	shalt  }
0x61: {  	_ =	shalt  }
0x62: {  	_ =	shalt  }
0x63: {  	_ =	shalt  }
0x64: {  	_ =	shalt  }
0x65: {  	_ =	shalt  }
0x66: {  	_ =	shalt  }
0x67: {  	_ =	shalt  }
0x68: {  	_ =	shalt  }
0x69: {  	_ =	shalt  }
0x6a: {  	_ =	shalt  }
0x6b: {  	_ =	shalt  }
0x6c: {  	_ =	shalt  }
0x6d: {  	_ =	shalt  }
0x6e: {  	_ =	shalt  }
0x6f: {  	_ =	shalt  }
0x70: {  	_ =	shalt  }
0x71: {  	_ =	shalt  }
0x72: {  	_ =	shalt  }
0x73: {  	_ =	shalt  }
0x74: {  	_ =	shalt  }
0x75: {  	_ =	shalt  }
0x76: {  	_ =	shalt  }
0x77: {  	_ =	shalt  }
0x78: {  	_ =	shalt  }
0x79: {  	_ =	shalt  }
0x7a: {  	_ =	shalt  }
0x7b: {  	_ =	shalt  }
0x7c: {  	_ =	shalt  }
0x7d: {  	_ =	shalt  }
0x7e: {  	_ =	shalt  }
0x7f: {  	_ =	shalt  }
0x80: {  	_ =	shalt  }
0x81: {  	_ =	shalt  }
0x82: {  	_ =	shalt  }
0x83: {  	_ =	shalt  }
0x84: {  	_ =	shalt  }
0x85: {  	_ =	shalt  }
0x86: {  	_ =	shalt  }
0x87: {  	_ =	shalt  }
.Lfunc_end0:
.L_simem_size_0:
called_computation_lowered:
.L_overlay_start_0:
0x88: {  	s2 =	sld [smem:$0x3FD9]  }
0x89: {  	s3 =	sld [smem:$0x3FFE];
	_ =	sdelay $0x1  }
0x8a: {  	s1 =	srdreg.scid  }
0x8b: {  	s0 =	sand.u32 $0x1, s1  }
0x8c: {  	s15 =	sshll.u32 s0, $0xA;
	s2 =	sadd.s32 s3, s2  }
0x8d: {  	s2 =	sadd.s32 s2, s15  }
0x8e: {  	[smem:$0x3FC6] =	sst s2  }
0x8f: {  	_ = 	snop  }
0x90: {  	s2 =	sld [smem:$0x3FD0];
	_ =	sdelay $0x1  }
0x91: {  	s16 =	sld [smem:$0x3FC9]  }
0x92: {  	s5 =	simm.s32 $0xA;
	s6 =	simm.s32 $0x10;
	s4 =	sld [smem:$0x3FC8]  }
0x93: {  	[smem:s6], [sflag:s5] =	dma.local [hbm:s2], $0x1  }
0x94: {  	_ =	swait.eq [sflag:s5], $0x1  }
0x95: {  	[sflag:s5] =	ssyncset.done $0x0  }
0x96: {  	s17 =	sld [smem:$0x10];
	[sflag:s5] =	ssyncadd.s32 $0xFFFFFFFF  }
0x97: {  	s18 =	sld [smem:$0x11];
	(tm) =	ssettm $0x1  }
0x98: {  	s19 =	sld [smem:$0x3FFB];
	_ =	sdelay $0x3  }
0x99: {  	_ =	strace s19  }
0x9a: {  	s6 =	sld [smem:$0x3FFC];
	_ =	sdelay $0x3  }
0x9b: {  	_ =	strace s6  }
0x9c: {  	s6 =	sld [smem:$0x3FFD];
	_ =	sdelay $0x3  }
0x9d: {  	_ =	strace s6  }
0x9e: {  	_ =	strace $0x8FFFFFFF  }
0x9f: {  	s20 =	sld [smem:$0x3FDB];
	_ =	sdelay $0x1  }
0xa0: {  	s7 =	simm.s32 $_scs_section_size  }
0xa1: {  	s8 =	simm.s32 $_size__tile_overlayer_lowered;
	s9 =	simm.s32 $_tile_overlayer_lowered  }
0xa2: {  	s23 =	simm.s32 $0x1BFF;
	s22 =	sshll.u32 s9, $0x1;
	s6 =	sadd.s32 s7, s20  }
0xa3: {  	s10 =	simm.s32 $0x0;
	s21 =	sshll.u32 s8, $0x1;
	s8 =	sadd.s32 s22, s6  }
0xa4: {  	[timem:s10], [sflag:s23] =	dma.local [hbm:s8], s21  }
0xa5: {  	_ =	swait.ge [sflag:s23], s21  }
0xa6: {  	s7 =	ssub.s32 $0x0, s21;
	[sflag:s23] =	ssyncset.done $0x0  }
0xa7: {  	[sflag:s23] =	ssyncadd.s32 s7;
	_ =	sdelay $0x1  }
0xa8: {  	s24 =	simm.s32 $0x1B8B  }
0xa9: {  	_ =	swait.ge [sflag:s24], $0x1  }
0xaa: {  	[sflag:s24] =	ssyncset.done $0x0  }
0xab: {  	s25 =	simm.s32 $0x1B8E;
	[sflag:s24] =	ssyncadd.s32 $0xFFFFFFFF  }
0xac: {  	s26 =	simm.s32 $execute0_lowered;
	[smem:$0x3FD2] =	sst s25  }
0xad: {  	s7 =	sshll.u32 s26, $0x1;
	_ =	strace $0x80000046;
	[dreg:$0x1] =	wrdreg $0xFFFFFFFF  }
0xae: {  	s28 =	simm.s32 $_size_execute0_lowered;
	s6 =	sadd.s32 s6, s7;
	[dreg:$0x0] =	wrdreg $0x0  }
0xaf: {  	s7 =	sshll.u32 s28, $0x1;
	[dreg:$0x2] =	wrdreg s6  }
0xb0: {  	[dreg:$0x3] =	wrdreg s7  }
0xb1: {  	[dreg:$0x4] =	wrdreg $0xC0  }
0xb2: {  	_ =	task [dreg:s10], $0x5FFFF  }
0xb3: {  	[dreg:$0x1] =	wrdreg $0xFFFFFFFF  }
0xb4: {  	[dreg:$0x0] =	wrdreg $0x60  }
0xb5: {  	[dreg:$0x2] =	wrdreg s16  }
0xb6: {  	[dreg:$0x3] =	wrdreg s4  }
0xb7: {  	[dreg:$0x4] =	wrdreg s17  }
0xb8: {  	[dreg:$0x5] =	wrdreg s18  }
0xb9: {  	[dreg:$0x6] =	wrdreg $0x81000  }
0xba: {  	[dreg:$0x7] =	wrdreg $0x9  }
0xbb: {  	_ =	task.clear_ibuf [dreg:s10], $0x8FFFF;
	_ =	strace $0x90000046  }
0xbc: {  	s29 =	simm.s32 $0x9;
	_ =	strace $0x80000048  }
0xbd: {  	_ =	swait.ge [sflag:s29], $0x1  }
0xbe: {  	[sflag:s29] =	ssyncadd.s32 $0xFFFFFFFF  }
0xbf: {  	_ =	strace $0x90000048  }
0xc0: {  	_ =	sfence  }
0xc1: {  	s30 =	sld [smem:$0x0];
	_ =	sdelay $0x2  }
0xc2: {  	s31 =	sshll.u32 s1, $0xD;
	s1 =	sshrl.u32 s1, $0x2  }
0xc3: {  	s3 =	sand.u32 $0x4000, s31;
	s1 =	sadd.s32 s1, s30  }
0xc4: {  	s0 =	sor.u32 s3, s0;
	s1 =	sshll.u32 s1, $0x11  }
0xc5: {  	s0 =	sor.u32 s1, s0  }
0xc6: {  	s0 =	sadd.s32 $0x8F2B, s0  }
0xc7: {  	[sflag:s0] =	ssyncadd.remote.s32 $0x1  }
0xc8: {  	_ =	sfence.sel $0xFFFF  }
0xc9: {  	[dreg:$0x0] =	wrdreg $0xFFFFFFFF;
	(pc) =	sbr.abs _section_cstart, $3  }
0xca: {  	[dreg:$0x1] =	wrdreg $0xFFFFFFFF  }
0xcb: {  	_ =	task.clear_ibuf [dreg:s10], $0x2FFFF;
	_ =	strace $0x9FFFFFFF  }
0xcc: {  	(tm) =	ssettm $0x7FFFFFFF  }
0xcd: {  	_ =	shalt  }
tec
execute0_lowered:
.L_overlay_start_1:
0x0: {  	(tag) =	ssettag $0x1  }
0x1: {  	s1 =	rddreg [dreg:$0x0]  }
0x2: {  	s2 =	rddreg [dreg:$0x1]  }
0x3: {  	s0 =	rddreg [dreg:$0x2]  }
0x4: {  	s4 =	rddreg [dreg:$0x3]  }
0x5: {  	s3 =	rddreg [dreg:$0x4]  }
0x6: {  	s5 =	simm.s32 $0x0;
	s6 =	srdreg.scid;
	s11 =	stileid.u32  }
0x7: {  	s28 =	simm.s32 $0x4100;
	s29 =	simm.s32 $0x3;
	s30 =	simm.s32 $0x80  }
0x8: {  	s31 =	simm.s32 $0x1;
	[smem:$0x7FF] =	sst s5;
	s7 =	smul.u32 $0x50000, s11  }
0x9: {  	s9 =	sand.u32 $0x1, s6;
	s12 =	smul.u32 $0x14000, s11;
	_ =	strace $0x80000047  }
0xa: {  	s6 =	ssub.s32 $0x2, s9;
	s10 =	sshll.u32 s9, $0x4;
	s16 =	smul.u32 $0x140000, s9  }
0xb: {  	s8 =	sshrl.u32 s6, $0x1;
	s10 =	sor.u32 s11, s10;
	s20 =	sshrl.u32 s7, $0x2  }
0xc: {  	s14 =	sadd.s32 $0x4000, s12;
	s15 =	sadd.s32 $0x8000, s12;
	s17 =	sadd.s32 $0xC000, s12  }
0xd: {  	s18 =	sadd.s32 $0x10000, s12;
	s13 =	ssub.s32 s6, s8;
	s6 =	sadd.s32 s20, s3  }
0xe: {  	s7 =	sadd.s32 s14, s3;
	s8 =	sadd.s32 s15, s3;
	s9 =	smul.u32 $0x2800, s10  }
0xf: {  	s10 =	sadd.s32 s17, s3;
	s11 =	sadd.s32 s18, s3;
	s12 =	sadd.s32 s12, s16  }
0x10: {  	s14 =	sadd.s32 s16, s14;
	s15 =	sadd.s32 s16, s15;
	s17 =	sadd.s32 s16, s17  }
0x11: {  	s16 =	sadd.s32 s16, s18;
	s12 =	sshrl.u32 s12, $0x3;
	s14 =	sshrl.u32 s14, $0x3  }
0x12: {  	s20 =	sshrl.u32 s17, $0x3;
	s23 =	sshrl.u32 s9, $0x3;
	s19 =	sadd.s32 s0, s12  }
0x13: {  	s21 =	sadd.s32 s0, s14;
	s22 =	sadd.s32 s0, s20;
	[dreg:$0x6] =	wrdreg s19  }
0x14: {  	s24 =	sadd.s32 s4, s12;
	s26 =	sadd.s32 s4, s14;
	[dreg:$0x7] =	wrdreg s21  }
0x15: {  	s20 =	sadd.s32 s4, s20;
	s12 =	simm.s32 $0x0;
	[dreg:$0x9] =	wrdreg s22  }
0x16: {  	s25 =	sor.u32 $0x10, s23;
	s19 =	sshrl.u32 s15, $0x3;
	[dreg:$0xb] =	wrdreg s24  }
0x17: {  	s21 =	sshrl.u32 s16, $0x3;
	[dreg:$0xc] =	wrdreg s26;
	s22 =	sadd.s32 s1, s23  }
0x18: {  	s23 =	sadd.s32 s2, s23;
	s26 =	smax.u32 s13, $0x1;
	s15 =	sadd.s32 s0, s19  }
0x19: {  	s0 =	sadd.s32 s0, s21;
	s19 =	sadd.s32 s4, s19;
	s21 =	sadd.s32 s4, s21  }
0x1a: {  	s24 =	sadd.s32 s1, s25;
	s25 =	sadd.s32 s2, s25;
	[dreg:$0x8] =	wrdreg s15  }
0x1b: {  	v0 =	vimm.f32 $1.000000000e+00;
	v1 =	vimm.f32 $0.0e+00;
	s4 =	simm.s32 $0x2;
	[dreg:$0xa] =	wrdreg s0;
	s0 =	simm.s32 $0x100  }
.LBB2_1:
0x1c: {  	s13 =	simm.s32 $0x0;
	s14 =	simm.s32 $0x200  }
.LBB2_2:
0x1d: {  	p0 =	sne.s32 s14, $0xFE00;
	[tilespmem:s13+$0x170] =	vst v0  }
0x1e: {  	[tilespmem:s13+$0x100] =	vst v0  }
0x1f: {  	[tilespmem:s13+$0x110] =	vst v0  }
.Ltmp0:
0x20: {  	[tilespmem:s13+$0x120] =	vst v0;
	(pc) =	sbr.rel @p0 .LBB2_2-.Ltmp0, $4  }
0x21: {  	[tilespmem:s13+$0x130] =	vst v0  }
0x22: {  	[tilespmem:s13+$0x140] =	vst v0  }
0x23: {  	[tilespmem:s13+$0x150] =	vst v0  }
0x24: {  	[tilespmem:s13+$0x160] =	vst v0;
	s13 =	sshra.s32 s14, $0x2;
	s14 =	sadd.s32 $0x200, s14  }
0x25: {  	[tilespmem:s13+$0x170] =	vst v0  }
0x26: {  	[tilespmem:s13+$0x100] =	vst v0  }
0x27: {  	[tilespmem:s13+$0x110] =	vst v0  }
0x28: {  	[tilespmem:s13+$0x120] =	vst v0  }
0x29: {  	[tilespmem:s13+$0x130] =	vst v0  }
0x2a: {  	[tilespmem:s13+$0x140] =	vst v0  }
0x2b: {  	[tilespmem:s13+$0x150] =	vst v0  }
0x2c: {  	[tilespmem:s13+$0x160] =	vst v0;
	s13 =	simm.s32 $0x0;
	s14 =	simm.s32 $0x200  }
.LBB2_4:
0x2d: {  	p0 =	sne.s32 s14, $0xFE00;
	[tilespmem:s13+$0x4170] =	vst v1  }
0x2e: {  	[tilespmem:s13+$0x4100] =	vst v1  }
0x2f: {  	[tilespmem:s13+$0x4110] =	vst v1  }
.Ltmp1:
0x30: {  	[tilespmem:s13+$0x4120] =	vst v1;
	(pc) =	sbr.rel @p0 .LBB2_4-.Ltmp1, $4  }
0x31: {  	[tilespmem:s13+$0x4130] =	vst v1  }
0x32: {  	[tilespmem:s13+$0x4140] =	vst v1  }
0x33: {  	[tilespmem:s13+$0x4150] =	vst v1  }
0x34: {  	[tilespmem:s13+$0x4160] =	vst v1;
	s13 =	sshra.s32 s14, $0x2;
	s14 =	sadd.s32 $0x200, s14  }
0x35: {  	[tilespmem:s13+$0x4170] =	vst v1  }
0x36: {  	[tilespmem:s13+$0x4100] =	vst v1  }
0x37: {  	[tilespmem:s13+$0x4110] =	vst v1  }
0x38: {  	[tilespmem:s13+$0x4120] =	vst v1  }
0x39: {  	[tilespmem:s13+$0x4130] =	vst v1  }
0x3a: {  	[tilespmem:s13+$0x4140] =	vst v1  }
0x3b: {  	[tilespmem:s13+$0x4150] =	vst v1  }
0x3c: {  	[tilespmem:s13+$0x4160] =	vst v1  }
0x3d: {  	[spmem:s6] =	stream.linear.scatter [tilespmem:s28], [sflag:$0x3], $0x4000, $0x38;
	[tilespmem:$0x1C100] =	vst v63  }
0x3e: {  	_ =	swait.ge [sflag:s29], $0x4000  }
0x3f: {  	[sflag:s29] =	ssyncset.done $0x0  }
0x40: {  	[sflag:s29] =	ssyncadd.s32 $0xFFFFC000  }
0x41: {  	[spmem:s7] =	stream.linear.scatter [tilespmem:s28], [sflag:$0x3], $0x4000, $0x38;
	[tilespmem:$0x1C100] =	vst v63  }
0x42: {  	_ =	swait.ge [sflag:s29], $0x4000  }
0x43: {  	[sflag:s29] =	ssyncset.done $0x0  }
0x44: {  	[sflag:s29] =	ssyncadd.s32 $0xFFFFC000  }
0x45: {  	[spmem:s8] =	stream.linear.scatter [tilespmem:s28], [sflag:$0x3], $0x4000, $0x38;
	[tilespmem:$0x1C100] =	vst v63  }
0x46: {  	_ =	swait.ge [sflag:s29], $0x4000  }
0x47: {  	[sflag:s29] =	ssyncset.done $0x0  }
0x48: {  	[sflag:s29] =	ssyncadd.s32 $0xFFFFC000  }
0x49: {  	[spmem:s10] =	stream.linear.scatter [tilespmem:s28], [sflag:$0x3], $0x4000, $0x38;
	[tilespmem:$0x1C100] =	vst v63  }
0x4a: {  	_ =	swait.ge [sflag:s29], $0x4000  }
0x4b: {  	[sflag:s29] =	ssyncset.done $0x0  }
0x4c: {  	[sflag:s29] =	ssyncadd.s32 $0xFFFFC000  }
0x4d: {  	[spmem:s11] =	stream.linear.scatter [tilespmem:s28], [sflag:$0x3], $0x4000, $0x38;
	[tilespmem:$0x1C100] =	vst v63  }
0x4e: {  	_ =	swait.ge [sflag:s29], $0x4000  }
0x4f: {  	[sflag:s29] =	ssyncset.done $0x0  }
0x50: {  	s16 =	simm.s32 $0x0;
	[sflag:s29] =	ssyncadd.s32 $0xFFFFC000  }
0x51: {  	s13 =	smin.u32 s16, $0x4C;
	[bflag:$0x0] =	sbarrier.arrive $0xFFFF  }
0x52: {  	[tilespmem:s16], [sflag:$0x1] =	stream.linear.gather [hbm4b:s22+s16], $0x80, $0x38;
	[tilespmem:$0x1C100] =	vst v63  }
0x53: {  	s13 =	sshll.u32 s13, $0x7  }
0x54: {  	[tilespmem:s30], [sflag:$0x2] =	stream.linear.gather [hbm4b:s24+s16], $0x80, $0x38;
	[tilespmem:$0x1C100] =	vst v63  }
0x55: {  	s14 =	sadd.s32 $0x100, s13;
	_ =	swait.ge [sflag:s31], $0x80  }
0x56: {  	s15 =	sand.u32 $0x7C00, s14;
	[sflag:s31] =	ssyncset.done $0x0  }
0x57: {  	s14 =	sand.u32 $0x300, s14;
	s15 =	sadd.s32 s9, s15;
	[sflag:s31] =	ssyncadd.s32 $0xFFFFFF80  }
0x58: {  	[spmem:s3] =	stream.indirect.scatter.add.f32 [tilespmem:s0], [sflag:$0x3], $0x80, s5, s30, $0xb8;
	[tilespmem:$0x1C100] =	vst v63  }
0x59: {  	s14 =	sor.u32 s14, s15;
	_ =	swait.ge [sflag:s29], $0x4000  }
0x5a: {  	s13 =	sadd.s32 $0x180, s13;
	s14 =	sshrl.u32 s14, $0x3;
	[sflag:s29] =	ssyncset.done $0x0  }
0x5b: {  	s17 =	sand.u32 $0x7C00, s13;
	s14 =	sadd.s32 s1, s14;
	[sflag:s29] =	ssyncadd.s32 $0xFFFFC000  }
0x5c: {  	[tilespmem:s5], [sflag:$0x1] =	stream.linear.gather [hbm4b:s14+s5], $0x80, $0x38;
	[tilespmem:$0x1C100] =	vst v63  }
0x5d: {  	s13 =	sand.u32 $0x380, s13;
	s18 =	sadd.s32 s9, s17;
	_ =	swait.ge [sflag:s4], $0x80  }
0x5e: {  	s14 =	sor.u32 s13, s18;
	[sflag:s4] =	ssyncset.done $0x0  }
0x5f: {  	s13 =	simm.s32 $0x2;
	s14 =	sshrl.u32 s14, $0x3;
	[sflag:s4] =	ssyncadd.s32 $0xFFFFFF80  }
.LBB2_6:
0x60: {  	[spmem:s3] =	stream.indirect.scatter.add.f32 [tilespmem:s0], [sflag:$0x3], $0x80, s30, s30, $0xb8;
	[tilespmem:$0x1C100] =	vst v63  }
0x61: {  	s15 =	smin.u32 s13, $0x4C;
	p0 =	sne.s32 s13, $0x4E;
	_ =	swait.ge [sflag:s29], $0x4000  }
0x62: {  	s14 =	sadd.s32 s1, s14;
	s15 =	sshll.u32 s15, $0x7;
	[sflag:s29] =	ssyncset.done $0x0  }
0x63: {  	s16 =	sadd.s32 $0x100, s15;
	s15 =	sadd.s32 $0x180, s15;
	[sflag:s29] =	ssyncadd.s32 $0xFFFFC000  }
0x64: {  	s17 =	sand.u32 $0x7C00, s16;
	s18 =	sand.u32 $0x7C00, s15;
	s15 =	sand.u32 $0x380, s15  }
0x65: {  	[tilespmem:s30], [sflag:$0x2] =	stream.linear.gather [hbm4b:s14+s5], $0x80, $0x38;
	[tilespmem:$0x1C100] =	vst v63  }
0x66: {  	s16 =	sand.u32 $0x300, s16;
	s14 =	sadd.s32 s9, s17;
	_ =	swait.ge [sflag:s31], $0x80  }
0x67: {  	s14 =	sor.u32 s16, s14;
	s16 =	sadd.s32 s9, s18;
	[sflag:s31] =	ssyncset.done $0x0  }
0x68: {  	s13 =	sadd.s32 $0x2, s13;
	s15 =	sor.u32 s15, s16;
	[sflag:s31] =	ssyncadd.s32 $0xFFFFFF80  }
0x69: {  	[spmem:s3] =	stream.indirect.scatter.add.f32 [tilespmem:s0], [sflag:$0x3], $0x80, s5, s30, $0xb8;
	[tilespmem:$0x1C100] =	vst v63  }
0x6a: {  	s16 =	sshrl.u32 s14, $0x3;
	s14 =	sshrl.u32 s15, $0x3;
	_ =	swait.ge [sflag:s29], $0x4000  }
0x6b: {  	s15 =	sadd.s32 s1, s16;
	[sflag:s29] =	ssyncset.done $0x0  }
.Ltmp2:
0x6c: {  	[sflag:s29] =	ssyncadd.s32 $0xFFFFC000;
	(pc) =	sbr.rel @p0 .LBB2_6-.Ltmp2, $4  }
0x6d: {  	[tilespmem:s5], [sflag:$0x1] =	stream.linear.gather [hbm4b:s15+s5], $0x80, $0x38;
	[tilespmem:$0x1C100] =	vst v63  }
0x6e: {  	_ =	swait.ge [sflag:s4], $0x80  }
0x6f: {  	[sflag:s4] =	ssyncset.done $0x0  }
0x70: {  	[sflag:s4] =	ssyncadd.s32 $0xFFFFFF80  }
0x71: {  	[spmem:s3] =	stream.indirect.scatter.add.f32 [tilespmem:s0], [sflag:$0x3], $0x80, s30, s30, $0xb8;
	[tilespmem:$0x1C100] =	vst v63  }
0x72: {  	_ =	swait.ge [sflag:s29], $0x4000  }
0x73: {  	[sflag:s29] =	ssyncset.done $0x0  }
0x74: {  	s13 =	sadd.s32 s1, s14;
	[sflag:s29] =	ssyncadd.s32 $0xFFFFC000  }
0x75: {  	[tilespmem:s30], [sflag:$0x2] =	stream.linear.gather [hbm4b:s13+s5], $0x80, $0x38;
	[tilespmem:$0x1C100] =	vst v63  }
0x76: {  	_ =	swait.ge [sflag:s31], $0x80  }
0x77: {  	[sflag:s31] =	ssyncset.done $0x0  }
0x78: {  	[sflag:s31] =	ssyncadd.s32 $0xFFFFFF80  }
0x79: {  	_ =	swait.ge [sflag:s4], $0x80  }
0x7a: {  	[sflag:s4] =	ssyncset.done $0x0  }
0x7b: {  	[sflag:s4] =	ssyncadd.s32 $0xFFFFFF80  }
0x7c: {  	[bflag:$0x0] =	sbarrier.arrive $0xFFFF  }
0x7d: {  	[tilespmem:s28], [sflag:$0x3] =	stream.linear.gather [spmem:s6], $0x4000, $0x38;
	[tilespmem:$0x1C100] =	vst v63  }
0x7e: {  	_ =	swait.ge [sflag:s29], $0x4000  }
0x7f: {  	[sflag:s29] =	ssyncset.done $0x0  }
0x80: {  	s13 =	simm.s32 $0x0;
	s18 =	rddreg [dreg:$0x6];
	[sflag:s29] =	ssyncadd.s32 $0xFFFFC000  }
0x81: {  	[hbm4b:s18+s13] =	stream.linear.scatter [tilespmem:s28], [sflag:$0x3], $0x4000, $0x38;
	[tilespmem:$0x1C100] =	vst v63  }
0x82: {  	_ =	swait.ge [sflag:s29], $0x4000  }
0x83: {  	[sflag:s29] =	ssyncset.done $0x0  }
0x84: {  	[sflag:s29] =	ssyncadd.s32 $0xFFFFC000  }
0x85: {  	[tilespmem:s28], [sflag:$0x3] =	stream.linear.gather [spmem:s7], $0x4000, $0x38;
	[tilespmem:$0x1C100] =	vst v63  }
0x86: {  	_ =	swait.ge [sflag:s29], $0x4000  }
0x87: {  	[sflag:s29] =	ssyncset.done $0x0  }
0x88: {  	s15 =	rddreg [dreg:$0x7];
	[sflag:s29] =	ssyncadd.s32 $0xFFFFC000  }
0x89: {  	[hbm4b:s15+s13] =	stream.linear.scatter [tilespmem:s28], [sflag:$0x3], $0x4000, $0x38;
	[tilespmem:$0x1C100] =	vst v63  }
0x8a: {  	_ =	swait.ge [sflag:s29], $0x4000  }
0x8b: {  	[sflag:s29] =	ssyncset.done $0x0  }
0x8c: {  	[sflag:s29] =	ssyncadd.s32 $0xFFFFC000  }
0x8d: {  	[tilespmem:s28], [sflag:$0x3] =	stream.linear.gather [spmem:s8], $0x4000, $0x38;
	[tilespmem:$0x1C100] =	vst v63  }
0x8e: {  	_ =	swait.ge [sflag:s29], $0x4000  }
0x8f: {  	[sflag:s29] =	ssyncset.done $0x0  }
0x90: {  	s16 =	rddreg [dreg:$0x8];
	[sflag:s29] =	ssyncadd.s32 $0xFFFFC000  }
0x91: {  	[hbm4b:s16+s13] =	stream.linear.scatter [tilespmem:s28], [sflag:$0x3], $0x4000, $0x38;
	[tilespmem:$0x1C100] =	vst v63  }
0x92: {  	_ =	swait.ge [sflag:s29], $0x4000  }
0x93: {  	[sflag:s29] =	ssyncset.done $0x0  }
0x94: {  	[sflag:s29] =	ssyncadd.s32 $0xFFFFC000  }
0x95: {  	[tilespmem:s28], [sflag:$0x3] =	stream.linear.gather [spmem:s10], $0x4000, $0x38;
	[tilespmem:$0x1C100] =	vst v63  }
0x96: {  	_ =	swait.ge [sflag:s29], $0x4000  }
0x97: {  	[sflag:s29] =	ssyncset.done $0x0  }
0x98: {  	s17 =	rddreg [dreg:$0x9];
	[sflag:s29] =	ssyncadd.s32 $0xFFFFC000  }
0x99: {  	[hbm4b:s17+s13] =	stream.linear.scatter [tilespmem:s28], [sflag:$0x3], $0x4000, $0x38;
	[tilespmem:$0x1C100] =	vst v63  }
0x9a: {  	_ =	swait.ge [sflag:s29], $0x4000  }
0x9b: {  	[sflag:s29] =	ssyncset.done $0x0  }
0x9c: {  	[sflag:s29] =	ssyncadd.s32 $0xFFFFC000  }
0x9d: {  	[tilespmem:s28], [sflag:$0x3] =	stream.linear.gather [spmem:s11], $0x4000, $0x38;
	[tilespmem:$0x1C100] =	vst v63  }
0x9e: {  	_ =	swait.ge [sflag:s29], $0x4000  }
0x9f: {  	[sflag:s29] =	ssyncset.done $0x0  }
0xa0: {  	s18 =	rddreg [dreg:$0xa];
	[sflag:s29] =	ssyncadd.s32 $0xFFFFC000  }
0xa1: {  	[hbm4b:s18+s13] =	stream.linear.scatter [tilespmem:s28], [sflag:$0x3], $0x4000, $0x38;
	[tilespmem:$0x1C100] =	vst v63  }
0xa2: {  	_ =	swait.ge [sflag:s29], $0x4000  }
0xa3: {  	[sflag:s29] =	ssyncset.done $0x0  }
0xa4: {  	[sflag:s29] =	ssyncadd.s32 $0xFFFFC000  }
0xa5: {  	s14 =	simm.s32 $0x200;
	s13 =	simm.s32 $0x0;
	[bflag:$0x0] =	sbarrier.arrive $0xFFFF  }
.LBB2_8:
0xa6: {  	p0 =	sne.s32 s14, $0xFE00;
	[tilespmem:s13+$0x4170] =	vst v1  }
0xa7: {  	[tilespmem:s13+$0x4100] =	vst v1  }
0xa8: {  	[tilespmem:s13+$0x4110] =	vst v1  }
.Ltmp3:
0xa9: {  	[tilespmem:s13+$0x4120] =	vst v1;
	(pc) =	sbr.rel @p0 .LBB2_8-.Ltmp3, $4  }
0xaa: {  	[tilespmem:s13+$0x4130] =	vst v1  }
0xab: {  	[tilespmem:s13+$0x4140] =	vst v1  }
0xac: {  	[tilespmem:s13+$0x4150] =	vst v1  }
0xad: {  	[tilespmem:s13+$0x4160] =	vst v1;
	s13 =	sshra.s32 s14, $0x2;
	s14 =	sadd.s32 $0x200, s14  }
0xae: {  	[tilespmem:s13+$0x4170] =	vst v1  }
0xaf: {  	[tilespmem:s13+$0x4100] =	vst v1  }
0xb0: {  	[tilespmem:s13+$0x4110] =	vst v1  }
0xb1: {  	[tilespmem:s13+$0x4120] =	vst v1  }
0xb2: {  	[tilespmem:s13+$0x4130] =	vst v1  }
0xb3: {  	[tilespmem:s13+$0x4140] =	vst v1  }
0xb4: {  	[tilespmem:s13+$0x4150] =	vst v1  }
0xb5: {  	[tilespmem:s13+$0x4160] =	vst v1  }
0xb6: {  	[spmem:s6] =	stream.linear.scatter [tilespmem:s28], [sflag:$0x3], $0x4000, $0x38;
	[tilespmem:$0x1C100] =	vst v63  }
0xb7: {  	_ =	swait.ge [sflag:s29], $0x4000  }
0xb8: {  	[sflag:s29] =	ssyncset.done $0x0  }
0xb9: {  	[sflag:s29] =	ssyncadd.s32 $0xFFFFC000  }
0xba: {  	[spmem:s7] =	stream.linear.scatter [tilespmem:s28], [sflag:$0x3], $0x4000, $0x38;
	[tilespmem:$0x1C100] =	vst v63  }
0xbb: {  	_ =	swait.ge [sflag:s29], $0x4000  }
0xbc: {  	[sflag:s29] =	ssyncset.done $0x0  }
0xbd: {  	[sflag:s29] =	ssyncadd.s32 $0xFFFFC000  }
0xbe: {  	[spmem:s8] =	stream.linear.scatter [tilespmem:s28], [sflag:$0x3], $0x4000, $0x38;
	[tilespmem:$0x1C100] =	vst v63  }
0xbf: {  	_ =	swait.ge [sflag:s29], $0x4000  }
0xc0: {  	[sflag:s29] =	ssyncset.done $0x0  }
0xc1: {  	[sflag:s29] =	ssyncadd.s32 $0xFFFFC000  }
0xc2: {  	[spmem:s10] =	stream.linear.scatter [tilespmem:s28], [sflag:$0x3], $0x4000, $0x38;
	[tilespmem:$0x1C100] =	vst v63  }
0xc3: {  	_ =	swait.ge [sflag:s29], $0x4000  }
0xc4: {  	[sflag:s29] =	ssyncset.done $0x0  }
0xc5: {  	[sflag:s29] =	ssyncadd.s32 $0xFFFFC000  }
0xc6: {  	[spmem:s11] =	stream.linear.scatter [tilespmem:s28], [sflag:$0x3], $0x4000, $0x38;
	[tilespmem:$0x1C100] =	vst v63  }
0xc7: {  	_ =	swait.ge [sflag:s29], $0x4000  }
0xc8: {  	[sflag:s29] =	ssyncset.done $0x0  }
0xc9: {  	s16 =	simm.s32 $0x0;
	[sflag:s29] =	ssyncadd.s32 $0xFFFFC000  }
0xca: {  	s13 =	smin.u32 s16, $0x4C;
	[bflag:$0x0] =	sbarrier.arrive $0xFFFF  }
0xcb: {  	[tilespmem:s16], [sflag:$0x1] =	stream.linear.gather [hbm4b:s23+s16], $0x80, $0x38;
	[tilespmem:$0x1C100] =	vst v63  }
0xcc: {  	s13 =	sshll.u32 s13, $0x7  }
0xcd: {  	[tilespmem:s30], [sflag:$0x2] =	stream.linear.gather [hbm4b:s25+s16], $0x80, $0x38;
	[tilespmem:$0x1C100] =	vst v63  }
0xce: {  	s14 =	sadd.s32 $0x100, s13;
	_ =	swait.ge [sflag:s31], $0x80  }
0xcf: {  	s15 =	sand.u32 $0x7C00, s14;
	[sflag:s31] =	ssyncset.done $0x0  }
0xd0: {  	s14 =	sand.u32 $0x300, s14;
	s15 =	sadd.s32 s9, s15;
	[sflag:s31] =	ssyncadd.s32 $0xFFFFFF80  }
0xd1: {  	[spmem:s3] =	stream.indirect.scatter.add.f32 [tilespmem:s0], [sflag:$0x3], $0x80, s5, s30, $0xb8;
	[tilespmem:$0x1C100] =	vst v63  }
0xd2: {  	s14 =	sor.u32 s14, s15;
	_ =	swait.ge [sflag:s29], $0x4000  }
0xd3: {  	s13 =	sadd.s32 $0x180, s13;
	s14 =	sshrl.u32 s14, $0x3;
	[sflag:s29] =	ssyncset.done $0x0  }
0xd4: {  	s17 =	sand.u32 $0x7C00, s13;
	s14 =	sadd.s32 s2, s14;
	[sflag:s29] =	ssyncadd.s32 $0xFFFFC000  }
0xd5: {  	[tilespmem:s5], [sflag:$0x1] =	stream.linear.gather [hbm4b:s14+s5], $0x80, $0x38;
	[tilespmem:$0x1C100] =	vst v63  }
0xd6: {  	s13 =	sand.u32 $0x380, s13;
	s18 =	sadd.s32 s9, s17;
	_ =	swait.ge [sflag:s4], $0x80  }
0xd7: {  	s14 =	sor.u32 s13, s18;
	[sflag:s4] =	ssyncset.done $0x0  }
0xd8: {  	s13 =	simm.s32 $0x2;
	s14 =	sshrl.u32 s14, $0x3;
	[sflag:s4] =	ssyncadd.s32 $0xFFFFFF80  }
.LBB2_10:
0xd9: {  	[spmem:s3] =	stream.indirect.scatter.add.f32 [tilespmem:s0], [sflag:$0x3], $0x80, s30, s30, $0xb8;
	[tilespmem:$0x1C100] =	vst v63  }
0xda: {  	s15 =	smin.u32 s13, $0x4C;
	p0 =	sne.s32 s13, $0x4E;
	_ =	swait.ge [sflag:s29], $0x4000  }
0xdb: {  	s14 =	sadd.s32 s2, s14;
	s15 =	sshll.u32 s15, $0x7;
	[sflag:s29] =	ssyncset.done $0x0  }
0xdc: {  	s16 =	sadd.s32 $0x100, s15;
	s15 =	sadd.s32 $0x180, s15;
	[sflag:s29] =	ssyncadd.s32 $0xFFFFC000  }
0xdd: {  	s17 =	sand.u32 $0x7C00, s16;
	s18 =	sand.u32 $0x7C00, s15;
	s15 =	sand.u32 $0x380, s15  }
0xde: {  	[tilespmem:s30], [sflag:$0x2] =	stream.linear.gather [hbm4b:s14+s5], $0x80, $0x38;
	[tilespmem:$0x1C100] =	vst v63  }
0xdf: {  	s16 =	sand.u32 $0x300, s16;
	s14 =	sadd.s32 s9, s17;
	_ =	swait.ge [sflag:s31], $0x80  }
0xe0: {  	s14 =	sor.u32 s16, s14;
	s16 =	sadd.s32 s9, s18;
	[sflag:s31] =	ssyncset.done $0x0  }
0xe1: {  	s13 =	sadd.s32 $0x2, s13;
	s15 =	sor.u32 s15, s16;
	[sflag:s31] =	ssyncadd.s32 $0xFFFFFF80  }
0xe2: {  	[spmem:s3] =	stream.indirect.scatter.add.f32 [tilespmem:s0], [sflag:$0x3], $0x80, s5, s30, $0xb8;
	[tilespmem:$0x1C100] =	vst v63  }
0xe3: {  	s16 =	sshrl.u32 s14, $0x3;
	s14 =	sshrl.u32 s15, $0x3;
	_ =	swait.ge [sflag:s29], $0x4000  }
0xe4: {  	s15 =	sadd.s32 s2, s16;
	[sflag:s29] =	ssyncset.done $0x0  }
.Ltmp4:
0xe5: {  	[sflag:s29] =	ssyncadd.s32 $0xFFFFC000;
	(pc) =	sbr.rel @p0 .LBB2_10-.Ltmp4, $4  }
0xe6: {  	[tilespmem:s5], [sflag:$0x1] =	stream.linear.gather [hbm4b:s15+s5], $0x80, $0x38;
	[tilespmem:$0x1C100] =	vst v63  }
0xe7: {  	_ =	swait.ge [sflag:s4], $0x80  }
0xe8: {  	[sflag:s4] =	ssyncset.done $0x0  }
0xe9: {  	[sflag:s4] =	ssyncadd.s32 $0xFFFFFF80  }
0xea: {  	[spmem:s3] =	stream.indirect.scatter.add.f32 [tilespmem:s0], [sflag:$0x3], $0x80, s30, s30, $0xb8;
	[tilespmem:$0x1C100] =	vst v63  }
0xeb: {  	_ =	swait.ge [sflag:s29], $0x4000  }
0xec: {  	[sflag:s29] =	ssyncset.done $0x0  }
0xed: {  	s13 =	sadd.s32 s2, s14;
	[sflag:s29] =	ssyncadd.s32 $0xFFFFC000  }
0xee: {  	[tilespmem:s30], [sflag:$0x2] =	stream.linear.gather [hbm4b:s13+s5], $0x80, $0x38;
	[tilespmem:$0x1C100] =	vst v63  }
0xef: {  	_ =	swait.ge [sflag:s31], $0x80  }
0xf0: {  	[sflag:s31] =	ssyncset.done $0x0  }
0xf1: {  	[sflag:s31] =	ssyncadd.s32 $0xFFFFFF80  }
0xf2: {  	_ =	swait.ge [sflag:s4], $0x80  }
0xf3: {  	[sflag:s4] =	ssyncset.done $0x0  }
0xf4: {  	[sflag:s4] =	ssyncadd.s32 $0xFFFFFF80  }
0xf5: {  	[bflag:$0x0] =	sbarrier.arrive $0xFFFF  }
0xf6: {  	[tilespmem:s28], [sflag:$0x3] =	stream.linear.gather [spmem:s6], $0x4000, $0x38;
	[tilespmem:$0x1C100] =	vst v63  }
0xf7: {  	_ =	swait.ge [sflag:s29], $0x4000  }
0xf8: {  	[sflag:s29] =	ssyncset.done $0x0  }
0xf9: {  	s17 =	rddreg [dreg:$0xb];
	[sflag:s29] =	ssyncadd.s32 $0xFFFFC000  }
0xfa: {  	[hbm4b:s17+s5] =	stream.linear.scatter [tilespmem:s28], [sflag:$0x3], $0x4000, $0x38;
	[tilespmem:$0x1C100] =	vst v63  }
0xfb: {  	_ =	swait.ge [sflag:s29], $0x4000  }
0xfc: {  	[sflag:s29] =	ssyncset.done $0x0  }
0xfd: {  	[sflag:s29] =	ssyncadd.s32 $0xFFFFC000  }
0xfe: {  	[tilespmem:s28], [sflag:$0x3] =	stream.linear.gather [spmem:s7], $0x4000, $0x38;
	[tilespmem:$0x1C100] =	vst v63  }
0xff: {  	_ =	swait.ge [sflag:s29], $0x4000  }
0x100: {  	[sflag:s29] =	ssyncset.done $0x0  }
0x101: {  	s18 =	rddreg [dreg:$0xc];
	[sflag:s29] =	ssyncadd.s32 $0xFFFFC000  }
0x102: {  	[hbm4b:s18+s5] =	stream.linear.scatter [tilespmem:s28], [sflag:$0x3], $0x4000, $0x38;
	[tilespmem:$0x1C100] =	vst v63  }
0x103: {  	_ =	swait.ge [sflag:s29], $0x4000  }
0x104: {  	[sflag:s29] =	ssyncset.done $0x0  }
0x105: {  	[sflag:s29] =	ssyncadd.s32 $0xFFFFC000  }
0x106: {  	[tilespmem:s28], [sflag:$0x3] =	stream.linear.gather [spmem:s8], $0x4000, $0x38;
	[tilespmem:$0x1C100] =	vst v63  }
0x107: {  	_ =	swait.ge [sflag:s29], $0x4000  }
0x108: {  	[sflag:s29] =	ssyncset.done $0x0  }
0x109: {  	[sflag:s29] =	ssyncadd.s32 $0xFFFFC000  }
0x10a: {  	[hbm4b:s19+s5] =	stream.linear.scatter [tilespmem:s28], [sflag:$0x3], $0x4000, $0x38;
	[tilespmem:$0x1C100] =	vst v63  }
0x10b: {  	_ =	swait.ge [sflag:s29], $0x4000  }
0x10c: {  	[sflag:s29] =	ssyncset.done $0x0  }
0x10d: {  	[sflag:s29] =	ssyncadd.s32 $0xFFFFC000  }
0x10e: {  	[tilespmem:s28], [sflag:$0x3] =	stream.linear.gather [spmem:s10], $0x4000, $0x38;
	[tilespmem:$0x1C100] =	vst v63  }
0x10f: {  	_ =	swait.ge [sflag:s29], $0x4000  }
0x110: {  	[sflag:s29] =	ssyncset.done $0x0  }
0x111: {  	[sflag:s29] =	ssyncadd.s32 $0xFFFFC000  }
0x112: {  	[hbm4b:s20+s5] =	stream.linear.scatter [tilespmem:s28], [sflag:$0x3], $0x4000, $0x38;
	[tilespmem:$0x1C100] =	vst v63  }
0x113: {  	_ =	swait.ge [sflag:s29], $0x4000  }
0x114: {  	[sflag:s29] =	ssyncset.done $0x0  }
0x115: {  	[sflag:s29] =	ssyncadd.s32 $0xFFFFC000  }
0x116: {  	[tilespmem:s28], [sflag:$0x3] =	stream.linear.gather [spmem:s11], $0x4000, $0x38;
	[tilespmem:$0x1C100] =	vst v63  }
0x117: {  	_ =	swait.ge [sflag:s29], $0x4000  }
0x118: {  	s12 =	sadd.s32 $0x1, s12;
	[sflag:s29] =	ssyncset.done $0x0  }
0x119: {  	p0 =	sne.s32 s12, s26;
	[sflag:s29] =	ssyncadd.s32 $0xFFFFC000  }
0x11a: {  	[hbm4b:s21+s5] =	stream.linear.scatter [tilespmem:s28], [sflag:$0x3], $0x4000, $0x38;
	[tilespmem:$0x1C100] =	vst v63  }
.Ltmp5:
0x11b: {  	_ =	swait.ge [sflag:s29], $0x4000;
	(pc) =	sbr.rel @p0 .LBB2_1-.Ltmp5, $3  }
0x11c: {  	[sflag:s29] =	ssyncset.done $0x0  }
0x11d: {  	[sflag:s29] =	ssyncadd.s32 $0xFFFFC000  }
0x11e: {  	[bflag:$0x0] =	sbarrier.arrive $0xFFFF;
	_ =	sdelay $0x1  }
0x11f: {  	_ =	sfence.sel $0x180000  }
0x120: {  	[bflag:$0x0] =	sbarrier.arrive $0xFFFF  }
0x121: {  	_ =	strace $0x90000047  }
0x122: {  	s0 =	stileid.u32;
	[bflag:$0x2] =	sbarrier.arrive $0xFFFF  }
0x123: {  	p0 =	sne.s32 s0, $0x0;
	s0 =	rddreg [dreg:$0x5]  }
0x124: {  	s0 =	sadd.s32 @!p0 $0x100000, s0  }
0x125: {  	[sflag:s0] =	ssyncadd.tile.s32 @!p0 $0x1;
	_ =	shalt  }
.Lfunc_end2:
_tile_overlayer_lowered:
.L_overlay_start_2:
0x126: {  	(tag) =	ssettag $0x2  }
0x127: {  	s0 =	rddreg [dreg:$0x0];
	s2 =	stileid.u32  }
0x128: {  	s1 =	rddreg [dreg:$0x1];
	p0 =	sne.s32 s2, $0x0  }
0x129: {  	s3 =	rddreg [dreg:$0x2];
	[bflag:$0x3] =	sbarrier.arrive $0xFFFF;
	s2 =	simm.s32 @!p0 $0x1C03  }
0x12a: {  	[timem:s3], [sflag:s2] =	dma.local @!p0 [hbm:s0], s1  }
0x12b: {  	s0 =	simm.s32 @!p0 $0x3  }
0x12c: {  	_ =	swait.ge @!p0 [sflag:s0], s1  }
0x12d: {  	s1 =	ssub.s32 @!p0 $0x0, s1;
	[sflag:s0] =	ssyncset.done @!p0 $0x0  }
0x12e: {  	[sflag:s0] =	ssyncadd.s32 @!p0 s1  }
0x12f: {  	[bflag:$0x3] =	sbarrier.arrive $0xFFFF  }
0x130: {  	_ =	shalt  }

</sc_bundles>
